<compile_context>
chip_gen: v7x
topology: tpu7x:2x2x1
jax: 0.10.2.dev20260603
libtpu: 0.0.44.dev20260713+nightly
codegen_flags: <defaults>
</compile_context>

<pallas_src>
import functools

import jax
import jax.numpy as jnp
from jax import lax
from jax.experimental import pallas as pl
from jax.experimental.pallas import tpu as pltpu
from jax.experimental.pallas import tpu_sc as plsc

_NW = 32
_LANES = 16
_NSLOT = 4


def _build_sc_gather(b, s, d_model, boundary, lo_off, hi_off):
    bat_per_w = b // _NW
    ch_per_w = bat_per_w * 2
    assert ch_per_w % _NSLOT == 0
    n_groups = ch_per_w // _NSLOT
    rows = s // 2
    rows_pad = (rows + 7) // 8 * 8 + 8
    idx_per_w = ch_per_w * rows_pad
    mesh = plsc.VectorSubcoreMesh(core_axis_name="c", subcore_axis_name="s")
    half = jax.ShapeDtypeStruct((b, rows, d_model // 128, 128), jnp.float32)

    @functools.partial(
        pl.kernel,
        mesh=mesh,
        out_type=[half, half],
        scratch_types=[
            pltpu.VMEM((idx_per_w,), jnp.int32),
        ]
        + [pltpu.VMEM((rows, d_model // 128, 128), jnp.float32)
           for _ in range(_NSLOT)]
        + [pltpu.SemaphoreType.DMA for _ in range(2 * _NSLOT)],
    )
    def k(w_hbm, idx_hbm, out_a, out_b, idx_v, *rest):
        bufs = rest[:_NSLOT]
        gsem = rest[_NSLOT:2 * _NSLOT]
        ssem = rest[2 * _NSLOT:]
        wid = lax.axis_index("s") * 2 + lax.axis_index("c")
        base_b = wid * bat_per_w
        pltpu.sync_copy(idx_hbm.at[pl.ds(wid * idx_per_w, idx_per_w)], idx_v)

        off = jnp.where(wid < boundary, lo_off, hi_off).astype(jnp.int32)

        def add_off(i, carry):
            sl = pl.ds(i * _LANES, _LANES)
            idx_v[sl] = idx_v[sl] + off
            return carry

        lax.fori_loop(0, idx_per_w // _LANES, add_off, 0)

        def g_desc(c, q):
            idxs = idx_v.at[pl.ds(c * rows_pad, rows)]
            return pltpu.make_async_copy(w_hbm.at[idxs], bufs[q], gsem[q])

        def s_desc(c, q):
            out = out_a if q % 2 == 0 else out_b
            return pltpu.make_async_copy(bufs[q],
                                         out.at[base_b + c // 2], ssem[q])

        g_desc(0, 0).start()
        g_desc(1, 1).start()

        def group(g, carry):
            c_base = g * _NSLOT
            for q in range(_NSLOT):
                c = c_base + q
                cn = c + 2
                qn = (q + 2) % _NSLOT

                @pl.when(cn < ch_per_w)
                def _():
                    @pl.when(cn >= _NSLOT)
                    def _():
                        s_desc(cn - _NSLOT, qn).wait()

                    g_desc(cn, qn).start()

                g_desc(c, q).wait()
                s_desc(c, q).start()
            return carry

        lax.fori_loop(0, n_groups, group, 0)
        for q in range(_NSLOT):
            s_desc(ch_per_w - _NSLOT + q, q).wait()

    return k


def kernel(x, direc, weight):
    b, s = x.shape
    d = weight.shape[1]
    if direc == "LR":
        lo_off = hi_off = 100
    elif direc == "RL":
        lo_off = hi_off = 200
    else:
        lo_off, hi_off = 100, 200
    rows = s // 2
    rows_pad = (rows + 7) // 8 * 8 + 8
    xi = x.astype(jnp.int32).reshape(b, 2, rows)
    xi = jnp.pad(xi, ((0, 0), (0, 0), (0, rows_pad - rows)))
    xi = xi.reshape(b * 2 * rows_pad)
    w3 = weight.reshape(weight.shape[0], d // 128, 128)
    out_a, out_b = _build_sc_gather(b, s, d, _NW // 2, lo_off, hi_off)(
        w3, xi)
    out_a = out_a.reshape(b, rows, d)
    out_b = out_b.reshape(b, rows, d)
    return jnp.concatenate([out_a, out_b], axis=1)

# --- scband reference (transcript-rebuilt; emitter-appended) ---
"""Pipeline reference for scband-ortho-embedding-bidirectional-39822936768827 (READ-ONLY COPY).

The authoritative reference and input builder live on the scoring server;
editing this copy changes nothing except your own understanding.
"""

import jax, jax.numpy as jnp
import numpy as np

D_MODEL = 1024
PADDING_IDX = 0
BATCH = 1024
SEQ = 50


def _orthogonal(key, n):
    m = jax.random.normal(key, (n, n), dtype=jnp.float32)
    q, r = jnp.linalg.qr(m)
    # sign correction so the decomposition is unique (matches torch orthogonal_ convention)
    d = jnp.sign(jnp.diag(r))
    q = q * d[None, :]
    return q.astype(jnp.float32)


def setup_inputs(seed: int = 0) -> dict:
    key = jax.random.key(seed)
    k_w, k_x = jax.random.split(key)
    weight = _orthogonal(k_w, D_MODEL)
    # zero out padding rows as in the torch __init__
    zero_rows = jnp.array([PADDING_IDX, PADDING_IDX + 100, PADDING_IDX + 200])
    weight = weight.at[zero_rows].set(0.0)
    x = jax.random.randint(k_x, (BATCH, SEQ), 0, 100, dtype=jnp.int64)
    direc = 0  # non-string sentinel -> takes the bidirectional (else) branch
    return {"x": x, "direc": direc, "weight": weight}


def reference(x, direc, weight):
    if direc == 'LR':
        return jnp.take(weight[100:200], x, axis=0)
    elif direc == 'RL':
        return jnp.take(weight[200:300], x, axis=0)
    else:
        bs = x.shape[0]
        lr = jnp.take(weight[100:200], x[:bs // 2, :], axis=0)
        rl = jnp.take(weight[200:300], x[bs // 2:, :], axis=0)
        return jnp.concatenate([lr, rl], axis=0)

if __name__ == "__main__":
    import jax
    _d = setup_inputs()
    print(jax.jit(kernel)(*tuple(_d.values())))

</pallas_src>

<mosaic_0001>
#map = affine_map<(d0, d1) -> (0, 0, 0)>
#map1 = affine_map<(d0, d1) -> (0)>
#map2 = affine_map<(d0, d1) -> (0, 0, 0, 0)>
module attributes {stable_mosaic.version = 14 : i64} {
  func.func @k(%arg0: i32, %arg1: i32, %arg2: memref<1024x8x128xf32, #tpu.memory_space<hbm>>, %arg3: memref<81920xi32, #tpu.memory_space<hbm>>, %arg4: memref<1024x25x8x128xf32, #tpu.memory_space<hbm>>, %arg5: memref<1024x25x8x128xf32, #tpu.memory_space<hbm>>, %arg6: memref<2560xi32, #tpu.memory_space<vmem>>, %arg7: memref<25x8x128xf32, #tpu.memory_space<vmem>>, %arg8: memref<25x8x128xf32, #tpu.memory_space<vmem>>, %arg9: memref<25x8x128xf32, #tpu.memory_space<vmem>>, %arg10: memref<25x8x128xf32, #tpu.memory_space<vmem>>, %arg11: memref<!tpu.dma_semaphore, #tpu.memory_space<semaphore_mem>>, %arg12: memref<!tpu.dma_semaphore, #tpu.memory_space<semaphore_mem>>, %arg13: memref<!tpu.dma_semaphore, #tpu.memory_space<semaphore_mem>>, %arg14: memref<!tpu.dma_semaphore, #tpu.memory_space<semaphore_mem>>, %arg15: memref<!tpu.dma_semaphore, #tpu.memory_space<semaphore_mem>>, %arg16: memref<!tpu.dma_semaphore, #tpu.memory_space<semaphore_mem>>, %arg17: memref<!tpu.dma_semaphore, #tpu.memory_space<semaphore_mem>>, %arg18: memref<!tpu.dma_semaphore, #tpu.memory_space<semaphore_mem>>) attributes {dimension_semantics = [#tpu.dimension_semantics<core_parallel>, #tpu.dimension_semantics<subcore_parallel>], iteration_bounds = array<i64: 2, 16>, scalar_prefetch = 0 : i64, scratch_operands = 13 : i64, tpu.core_type = #tpu.core_type<sc_vector_subcore>, window_params = [{transform_indices = #map}, {transform_indices = #map1}, {transform_indices = #map2}, {transform_indices = #map2}]} {
    %mul3A = arith.constant 2 : i32
    %mul3A_0 = arith.muli %arg1, %mul3A : i32
    %add3A = arith.addi %mul3A_0, %arg0 : i32
    %mul3A_1 = arith.constant 32 : i32
    %mul3A_2 = arith.muli %add3A, %mul3A_1 : i32
    %mul3A_3 = arith.constant 2560 : i32
    %mul3A_4 = arith.muli %add3A, %mul3A_3 : i32
    "tpu.region"() ({
      %run_scoped3A = tpu.sem_alloc : memref<!tpu.dma_semaphore, #tpu.memory_space<semaphore_mem>>
      %dma_start3A_76 = tpu.memref_slice %arg3[%mul3A_4] : memref<81920xi32, #tpu.memory_space<hbm>> -> memref<2560xi32, #tpu.memory_space<hbm>>
      %dma_start3A_77 = tpu.memref_slice %arg3[%mul3A_4] : memref<81920xi32, #tpu.memory_space<hbm>> -> memref<2560xi32, #tpu.memory_space<hbm>>
      tpu.enqueue_dma source(%dma_start3A_77 : memref<2560xi32, #tpu.memory_space<hbm>>) target(%arg6 : memref<2560xi32, #tpu.memory_space<vmem>>) target_semaphore(%run_scoped3A : memref<!tpu.dma_semaphore, #tpu.memory_space<semaphore_mem>>)
      %dma_wait3A_78 = tpu.memref_slice %arg3[%mul3A_4] : memref<81920xi32, #tpu.memory_space<hbm>> -> memref<2560xi32, #tpu.memory_space<hbm>>
      %dma_wait3A_79 = tpu.memref_slice %arg3[%mul3A_4] : memref<81920xi32, #tpu.memory_space<hbm>> -> memref<2560xi32, #tpu.memory_space<hbm>>
      tpu.wait_dma2 semaphore(%run_scoped3A : memref<!tpu.dma_semaphore, #tpu.memory_space<semaphore_mem>>) src(%dma_wait3A_79 : memref<2560xi32, #tpu.memory_space<hbm>>) dst(%arg6 : memref<2560xi32, #tpu.memory_space<vmem>>)
      tpu.yield
    }) : () -> ()
    %lt3A = arith.constant 16 : i32
    %lt3A_5 = arith.cmpi slt, %add3A, %lt3A : i32
    %jit3A = arith.constant 100 : i32
    %jit3A_6 = arith.constant 200 : i32
    %select_n3A = arith.select %lt3A_5, %jit3A, %jit3A_6 : i32
    %scan3A = arith.constant 0 : i32
    %scan3A_7 = arith.constant 0 : i32
    %scan3A_8 = arith.constant 160 : i32
    %scan3A_9 = arith.addi %scan3A_7, %scan3A_8 : i32
    %scan3A_10 = arith.constant 1 : i32
    scf.for %scan3A_76 = %scan3A_7 to %scan3A_9 step %scan3A_10  : i32 {
      %mul3A_77 = arith.constant 16 : i32
      %mul3A_78 = arith.muli %scan3A_76, %mul3A_77 : i32
      %get3A = arith.index_cast %mul3A_78 : i32 to index
      %get3A_79 = tpu.vector_load %arg6[%get3A] {strides = array<i32>} : memref<2560xi32, #tpu.memory_space<vmem>>, vector<16xi32>,
      %get3A_80 = vector.shape_cast %get3A_79 : vector<16xi32> to vector<16xi32>
      %add3A_81 = vector.broadcast %select_n3A : i32 to vector<16xi32>
      %add3A_82 = arith.addi %get3A_80, %add3A_81 : vector<16xi32>
      %swap3A = arith.index_cast %mul3A_78 : i32 to index
      %swap3A_83 = tpu.vector_load %arg6[%swap3A] {strides = array<i32>} : memref<2560xi32, #tpu.memory_space<vmem>>, vector<16xi32>,
      %swap3A_84 = vector.shape_cast %swap3A_83 : vector<16xi32> to vector<16xi32>
      %swap3A_85 = vector.shape_cast %add3A_82 : vector<16xi32> to vector<16xi32>
      tpu.vector_store %arg6[%swap3A], %swap3A_85 {strides = array<i32>} : memref<2560xi32, #tpu.memory_space<vmem>>, vector<16xi32>,
    }
    %scan3A_11 = arith.constant 160 : i32
    %dma_start3A = arith.constant 0 : i32
    %dma_start3A_12 = tpu.memref_slice %arg6[%dma_start3A] : memref<2560xi32, #tpu.memory_space<vmem>> -> memref<25xi32, #tpu.memory_space<vmem>>
    %dma_start3A_13 = arith.constant 0 : i32
    %dma_start3A_14 = arith.constant 0 : i32
    %dma_start3A_15 = arith.constant 0 : i32
    %dma_start3A_16 = tpu.memref_slice %arg2[%dma_start3A_13, %dma_start3A_14, %dma_start3A_15] : memref<1024x8x128xf32, #tpu.memory_space<hbm>> -> memref<1024x8x128xf32, #tpu.memory_space<hbm>>
    tpu.enqueue_indirect_dma source(%dma_start3A_16 : memref<1024x8x128xf32, #tpu.memory_space<hbm>>) target(%arg7 : memref<25x8x128xf32, #tpu.memory_space<vmem>>) offsets(%dma_start3A_12 : memref<25xi32, #tpu.memory_space<vmem>>) semaphore(%arg11 : memref<!tpu.dma_semaphore, #tpu.memory_space<semaphore_mem>>)
    %dma_start3A_17 = arith.constant 40 : i32
    %dma_start3A_18 = tpu.memref_slice %arg6[%dma_start3A_17] : memref<2560xi32, #tpu.memory_space<vmem>> -> memref<25xi32, #tpu.memory_space<vmem>>
    %dma_start3A_19 = arith.constant 0 : i32
    %dma_start3A_20 = arith.constant 0 : i32
    %dma_start3A_21 = arith.constant 0 : i32
    %dma_start3A_22 = tpu.memref_slice %arg2[%dma_start3A_19, %dma_start3A_20, %dma_start3A_21] : memref<1024x8x128xf32, #tpu.memory_space<hbm>> -> memref<1024x8x128xf32, #tpu.memory_space<hbm>>
    tpu.enqueue_indirect_dma source(%dma_start3A_22 : memref<1024x8x128xf32, #tpu.memory_space<hbm>>) target(%arg8 : memref<25x8x128xf32, #tpu.memory_space<vmem>>) offsets(%dma_start3A_18 : memref<25xi32, #tpu.memory_space<vmem>>) semaphore(%arg12 : memref<!tpu.dma_semaphore, #tpu.memory_space<semaphore_mem>>)
    %scan3A_23 = arith.constant 0 : i32
    %scan3A_24 = arith.constant 0 : i32
    %scan3A_25 = arith.constant 16 : i32
    %scan3A_26 = arith.addi %scan3A_24, %scan3A_25 : i32
    %scan3A_27 = arith.constant 1 : i32
    scf.for %scan3A_76 = %scan3A_24 to %scan3A_26 step %scan3A_27  : i32 {
      %mul3A_77 = arith.constant 4 : i32
      %mul3A_78 = arith.muli %scan3A_76, %mul3A_77 : i32
      %add3A_79 = arith.constant 0 : i32
      %add3A_80 = arith.addi %mul3A_78, %add3A_79 : i32
      %add3A_81 = arith.constant 2 : i32
      %add3A_82 = arith.addi %add3A_80, %add3A_81 : i32
      %lt3A_83 = arith.constant 64 : i32
      %lt3A_84 = arith.cmpi slt, %add3A_82, %lt3A_83 : i32
      %convert_element_type3A = arith.extui %lt3A_84 : i1 to i32
      %cond3A = arith.constant 0 : i32
      %cond3A_85 = arith.cmpi ne, %convert_element_type3A, %cond3A : i32
      scf.if %cond3A_85 {
        %ge3A = arith.constant 4 : i32
        %ge3A_275 = arith.cmpi sge, %add3A_82, %ge3A : i32
        %convert_element_type3A_276 = arith.extui %ge3A_275 : i1 to i32
        %cond3A_277 = arith.constant 0 : i32
        %cond3A_278 = arith.cmpi ne, %convert_element_type3A_276, %cond3A_277 : i32
        scf.if %cond3A_278 {
          %sub3A_286 = arith.constant 4 : i32
          %sub3A_287 = arith.subi %add3A_82, %sub3A_286 : i32
          %jit3A_288 = arith.constant 2 : i32
          %div3A_289 = arith.divsi %sub3A_287, %jit3A_288 : i32
          %sign3A_290 = arith.constant 0 : i32
          %sign3A_291 = arith.cmpi sgt, %sub3A_287, %sign3A_290 : i32
          %sign3A_292 = arith.extui %sign3A_291 : i1 to i32
          %sign3A_293 = arith.constant 0 : i32
          %sign3A_294 = arith.cmpi slt, %sub3A_287, %sign3A_293 : i32
          %sign3A_295 = arith.extui %sign3A_294 : i1 to i32
          %sign3A_296 = arith.subi %sign3A_292, %sign3A_295 : i32
          %sign3A_297 = arith.constant 0 : i32
          %sign3A_298 = arith.cmpi sgt, %jit3A_288, %sign3A_297 : i32
          %sign3A_299 = arith.extui %sign3A_298 : i1 to i32
          %sign3A_300 = arith.constant 0 : i32
          %sign3A_301 = arith.cmpi slt, %jit3A_288, %sign3A_300 : i32
          %sign3A_302 = arith.extui %sign3A_301 : i1 to i32
          %sign3A_303 = arith.subi %sign3A_299, %sign3A_302 : i32
          %ne3A_304 = arith.cmpi ne, %sign3A_296, %sign3A_303 : i32
          %rem3A_305 = arith.remsi %sub3A_287, %jit3A_288 : i32
          %ne3A_306 = arith.constant 0 : i32
          %ne3A_307 = arith.cmpi ne, %rem3A_305, %ne3A_306 : i32
          %and3A_308 = arith.andi %ne3A_304, %ne3A_307 : i1
          %sub3A_309 = arith.constant 1 : i32
          %sub3A_310 = arith.subi %div3A_289, %sub3A_309 : i32
          %select_n3A_311 = arith.select %and3A_308, %sub3A_310, %div3A_289 : i32
          %add3A_312 = arith.addi %mul3A_2, %select_n3A_311 : i32
          %dma_wait3A_313 = arith.constant 0 : i32
          %dma_wait3A_314 = arith.constant 0 : i32
          %dma_wait3A_315 = arith.constant 0 : i32
          %dma_wait3A_316 = tpu.memref_slice %arg4[%add3A_312, %dma_wait3A_313, %dma_wait3A_314, %dma_wait3A_315] : memref<1024x25x8x128xf32, #tpu.memory_space<hbm>> -> memref<1x25x8x128xf32, #tpu.memory_space<hbm>>
          %dma_wait3A_317 = tpu.memref_squeeze %dma_wait3A_316 : memref<1x25x8x128xf32, #tpu.memory_space<hbm>> -> memref<25x8x128xf32, #tpu.memory_space<hbm>>
          %dma_wait3A_318 = arith.constant 0 : i32
          %dma_wait3A_319 = arith.constant 0 : i32
          %dma_wait3A_320 = arith.constant 0 : i32
          %dma_wait3A_321 = tpu.memref_slice %arg4[%add3A_312, %dma_wait3A_318, %dma_wait3A_319, %dma_wait3A_320] : memref<1024x25x8x128xf32, #tpu.memory_space<hbm>> -> memref<1x25x8x128xf32, #tpu.memory_space<hbm>>
          %dma_wait3A_322 = tpu.memref_squeeze %dma_wait3A_321 : memref<1x25x8x128xf32, #tpu.memory_space<hbm>> -> memref<25x8x128xf32, #tpu.memory_space<hbm>>
          tpu.wait_dma2 semaphore(%arg17 : memref<!tpu.dma_semaphore, #tpu.memory_space<semaphore_mem>>) src(%arg9 : memref<25x8x128xf32, #tpu.memory_space<vmem>>) dst(%dma_wait3A_322 : memref<25x8x128xf32, #tpu.memory_space<hbm>>)
        } else {
        }
        %mul3A_279 = arith.constant 40 : i32
        %mul3A_280 = arith.muli %add3A_82, %mul3A_279 : i32
        %dma_start3A_281 = tpu.memref_slice %arg6[%mul3A_280] : memref<2560xi32, #tpu.memory_space<vmem>> -> memref<25xi32, #tpu.memory_space<vmem>>
        %dma_start3A_282 = arith.constant 0 : i32
        %dma_start3A_283 = arith.constant 0 : i32
        %dma_start3A_284 = arith.constant 0 : i32
        %dma_start3A_285 = tpu.memref_slice %arg2[%dma_start3A_282, %dma_start3A_283, %dma_start3A_284] : memref<1024x8x128xf32, #tpu.memory_space<hbm>> -> memref<1024x8x128xf32, #tpu.memory_space<hbm>>
        tpu.enqueue_indirect_dma source(%dma_start3A_285 : memref<1024x8x128xf32, #tpu.memory_space<hbm>>) target(%arg9 : memref<25x8x128xf32, #tpu.memory_space<vmem>>) offsets(%dma_start3A_281 : memref<25xi32, #tpu.memory_space<vmem>>) semaphore(%arg13 : memref<!tpu.dma_semaphore, #tpu.memory_space<semaphore_mem>>)
      } else {
      }
      %mul3A_86 = arith.constant 40 : i32
      %mul3A_87 = arith.muli %add3A_80, %mul3A_86 : i32
      %dma_wait3A_88 = tpu.memref_slice %arg6[%mul3A_87] : memref<2560xi32, #tpu.memory_space<vmem>> -> memref<25xi32, #tpu.memory_space<vmem>>
      %dma_wait3A_89 = arith.constant 0 : i32
      %dma_wait3A_90 = arith.constant 0 : i32
      %dma_wait3A_91 = arith.constant 0 : i32
      %dma_wait3A_92 = tpu.memref_slice %arg2[%dma_wait3A_89, %dma_wait3A_90, %dma_wait3A_91] : memref<1024x8x128xf32, #tpu.memory_space<hbm>> -> memref<1024x8x128xf32, #tpu.memory_space<hbm>>
      tpu.wait_indirect_dma semaphore(%arg11 : memref<!tpu.dma_semaphore, #tpu.memory_space<semaphore_mem>>) src(%dma_wait3A_92 : memref<1024x8x128xf32, #tpu.memory_space<hbm>>) dst(%arg7 : memref<25x8x128xf32, #tpu.memory_space<vmem>>)
      %jit3A_93 = arith.constant 2 : i32
      %div3A = arith.divsi %add3A_80, %jit3A_93 : i32
      %sign3A = arith.constant 0 : i32
      %sign3A_94 = arith.cmpi sgt, %add3A_80, %sign3A : i32
      %sign3A_95 = arith.extui %sign3A_94 : i1 to i32
      %sign3A_96 = arith.constant 0 : i32
      %sign3A_97 = arith.cmpi slt, %add3A_80, %sign3A_96 : i32
      %sign3A_98 = arith.extui %sign3A_97 : i1 to i32
      %sign3A_99 = arith.subi %sign3A_95, %sign3A_98 : i32
      %sign3A_100 = arith.constant 0 : i32
      %sign3A_101 = arith.cmpi sgt, %jit3A_93, %sign3A_100 : i32
      %sign3A_102 = arith.extui %sign3A_101 : i1 to i32
      %sign3A_103 = arith.constant 0 : i32
      %sign3A_104 = arith.cmpi slt, %jit3A_93, %sign3A_103 : i32
      %sign3A_105 = arith.extui %sign3A_104 : i1 to i32
      %sign3A_106 = arith.subi %sign3A_102, %sign3A_105 : i32
      %ne3A = arith.cmpi ne, %sign3A_99, %sign3A_106 : i32
      %rem3A = arith.remsi %add3A_80, %jit3A_93 : i32
      %ne3A_107 = arith.constant 0 : i32
      %ne3A_108 = arith.cmpi ne, %rem3A, %ne3A_107 : i32
      %and3A = arith.andi %ne3A, %ne3A_108 : i1
      %sub3A = arith.constant 1 : i32
      %sub3A_109 = arith.subi %div3A, %sub3A : i32
      %select_n3A_110 = arith.select %and3A, %sub3A_109, %div3A : i32
      %add3A_111 = arith.addi %mul3A_2, %select_n3A_110 : i32
      %dma_start3A_112 = arith.constant 0 : i32
      %dma_start3A_113 = arith.constant 0 : i32
      %dma_start3A_114 = arith.constant 0 : i32
      %dma_start3A_115 = tpu.memref_slice %arg4[%add3A_111, %dma_start3A_112, %dma_start3A_113, %dma_start3A_114] : memref<1024x25x8x128xf32, #tpu.memory_space<hbm>> -> memref<1x25x8x128xf32, #tpu.memory_space<hbm>>
      %dma_start3A_116 = tpu.memref_squeeze %dma_start3A_115 : memref<1x25x8x128xf32, #tpu.memory_space<hbm>> -> memref<25x8x128xf32, #tpu.memory_space<hbm>>
      %dma_start3A_117 = arith.constant 0 : i32
      %dma_start3A_118 = arith.constant 0 : i32
      %dma_start3A_119 = arith.constant 0 : i32
      %dma_start3A_120 = tpu.memref_slice %arg4[%add3A_111, %dma_start3A_117, %dma_start3A_118, %dma_start3A_119] : memref<1024x25x8x128xf32, #tpu.memory_space<hbm>> -> memref<1x25x8x128xf32, #tpu.memory_space<hbm>>
      %dma_start3A_121 = tpu.memref_squeeze %dma_start3A_120 : memref<1x25x8x128xf32, #tpu.memory_space<hbm>> -> memref<25x8x128xf32, #tpu.memory_space<hbm>>
      tpu.enqueue_dma source(%arg7 : memref<25x8x128xf32, #tpu.memory_space<vmem>>) target(%dma_start3A_121 : memref<25x8x128xf32, #tpu.memory_space<hbm>>) target_semaphore(%arg15 : memref<!tpu.dma_semaphore, #tpu.memory_space<semaphore_mem>>)
      %add3A_122 = arith.constant 1 : i32
      %add3A_123 = arith.addi %mul3A_78, %add3A_122 : i32
      %add3A_124 = arith.constant 2 : i32
      %add3A_125 = arith.addi %add3A_123, %add3A_124 : i32
      %lt3A_126 = arith.constant 64 : i32
      %lt3A_127 = arith.cmpi slt, %add3A_125, %lt3A_126 : i32
      %convert_element_type3A_128 = arith.extui %lt3A_127 : i1 to i32
      %cond3A_129 = arith.constant 0 : i32
      %cond3A_130 = arith.cmpi ne, %convert_element_type3A_128, %cond3A_129 : i32
      scf.if %cond3A_130 {
        %ge3A = arith.constant 4 : i32
        %ge3A_275 = arith.cmpi sge, %add3A_125, %ge3A : i32
        %convert_element_type3A_276 = arith.extui %ge3A_275 : i1 to i32
        %cond3A_277 = arith.constant 0 : i32
        %cond3A_278 = arith.cmpi ne, %convert_element_type3A_276, %cond3A_277 : i32
        scf.if %cond3A_278 {
          %sub3A_286 = arith.constant 4 : i32
          %sub3A_287 = arith.subi %add3A_125, %sub3A_286 : i32
          %jit3A_288 = arith.constant 2 : i32
          %div3A_289 = arith.divsi %sub3A_287, %jit3A_288 : i32
          %sign3A_290 = arith.constant 0 : i32
          %sign3A_291 = arith.cmpi sgt, %sub3A_287, %sign3A_290 : i32
          %sign3A_292 = arith.extui %sign3A_291 : i1 to i32
          %sign3A_293 = arith.constant 0 : i32
          %sign3A_294 = arith.cmpi slt, %sub3A_287, %sign3A_293 : i32
          %sign3A_295 = arith.extui %sign3A_294 : i1 to i32
          %sign3A_296 = arith.subi %sign3A_292, %sign3A_295 : i32
          %sign3A_297 = arith.constant 0 : i32
          %sign3A_298 = arith.cmpi sgt, %jit3A_288, %sign3A_297 : i32
          %sign3A_299 = arith.extui %sign3A_298 : i1 to i32
          %sign3A_300 = arith.constant 0 : i32
          %sign3A_301 = arith.cmpi slt, %jit3A_288, %sign3A_300 : i32
          %sign3A_302 = arith.extui %sign3A_301 : i1 to i32
          %sign3A_303 = arith.subi %sign3A_299, %sign3A_302 : i32
          %ne3A_304 = arith.cmpi ne, %sign3A_296, %sign3A_303 : i32
          %rem3A_305 = arith.remsi %sub3A_287, %jit3A_288 : i32
          %ne3A_306 = arith.constant 0 : i32
          %ne3A_307 = arith.cmpi ne, %rem3A_305, %ne3A_306 : i32
          %and3A_308 = arith.andi %ne3A_304, %ne3A_307 : i1
          %sub3A_309 = arith.constant 1 : i32
          %sub3A_310 = arith.subi %div3A_289, %sub3A_309 : i32
          %select_n3A_311 = arith.select %and3A_308, %sub3A_310, %div3A_289 : i32
          %add3A_312 = arith.addi %mul3A_2, %select_n3A_311 : i32
          %dma_wait3A_313 = arith.constant 0 : i32
          %dma_wait3A_314 = arith.constant 0 : i32
          %dma_wait3A_315 = arith.constant 0 : i32
          %dma_wait3A_316 = tpu.memref_slice %arg5[%add3A_312, %dma_wait3A_313, %dma_wait3A_314, %dma_wait3A_315] : memref<1024x25x8x128xf32, #tpu.memory_space<hbm>> -> memref<1x25x8x128xf32, #tpu.memory_space<hbm>>
          %dma_wait3A_317 = tpu.memref_squeeze %dma_wait3A_316 : memref<1x25x8x128xf32, #tpu.memory_space<hbm>> -> memref<25x8x128xf32, #tpu.memory_space<hbm>>
          %dma_wait3A_318 = arith.constant 0 : i32
          %dma_wait3A_319 = arith.constant 0 : i32
          %dma_wait3A_320 = arith.constant 0 : i32
          %dma_wait3A_321 = tpu.memref_slice %arg5[%add3A_312, %dma_wait3A_318, %dma_wait3A_319, %dma_wait3A_320] : memref<1024x25x8x128xf32, #tpu.memory_space<hbm>> -> memref<1x25x8x128xf32, #tpu.memory_space<hbm>>
          %dma_wait3A_322 = tpu.memref_squeeze %dma_wait3A_321 : memref<1x25x8x128xf32, #tpu.memory_space<hbm>> -> memref<25x8x128xf32, #tpu.memory_space<hbm>>
          tpu.wait_dma2 semaphore(%arg18 : memref<!tpu.dma_semaphore, #tpu.memory_space<semaphore_mem>>) src(%arg10 : memref<25x8x128xf32, #tpu.memory_space<vmem>>) dst(%dma_wait3A_322 : memref<25x8x128xf32, #tpu.memory_space<hbm>>)
        } else {
        }
        %mul3A_279 = arith.constant 40 : i32
        %mul3A_280 = arith.muli %add3A_125, %mul3A_279 : i32
        %dma_start3A_281 = tpu.memref_slice %arg6[%mul3A_280] : memref<2560xi32, #tpu.memory_space<vmem>> -> memref<25xi32, #tpu.memory_space<vmem>>
        %dma_start3A_282 = arith.constant 0 : i32
        %dma_start3A_283 = arith.constant 0 : i32
        %dma_start3A_284 = arith.constant 0 : i32
        %dma_start3A_285 = tpu.memref_slice %arg2[%dma_start3A_282, %dma_start3A_283, %dma_start3A_284] : memref<1024x8x128xf32, #tpu.memory_space<hbm>> -> memref<1024x8x128xf32, #tpu.memory_space<hbm>>
        tpu.enqueue_indirect_dma source(%dma_start3A_285 : memref<1024x8x128xf32, #tpu.memory_space<hbm>>) target(%arg10 : memref<25x8x128xf32, #tpu.memory_space<vmem>>) offsets(%dma_start3A_281 : memref<25xi32, #tpu.memory_space<vmem>>) semaphore(%arg14 : memref<!tpu.dma_semaphore, #tpu.memory_space<semaphore_mem>>)
      } else {
      }
      %mul3A_131 = arith.constant 40 : i32
      %mul3A_132 = arith.muli %add3A_123, %mul3A_131 : i32
      %dma_wait3A_133 = tpu.memref_slice %arg6[%mul3A_132] : memref<2560xi32, #tpu.memory_space<vmem>> -> memref<25xi32, #tpu.memory_space<vmem>>
      %dma_wait3A_134 = arith.constant 0 : i32
      %dma_wait3A_135 = arith.constant 0 : i32
      %dma_wait3A_136 = arith.constant 0 : i32
      %dma_wait3A_137 = tpu.memref_slice %arg2[%dma_wait3A_134, %dma_wait3A_135, %dma_wait3A_136] : memref<1024x8x128xf32, #tpu.memory_space<hbm>> -> memref<1024x8x128xf32, #tpu.memory_space<hbm>>
      tpu.wait_indirect_dma semaphore(%arg12 : memref<!tpu.dma_semaphore, #tpu.memory_space<semaphore_mem>>) src(%dma_wait3A_137 : memref<1024x8x128xf32, #tpu.memory_space<hbm>>) dst(%arg8 : memref<25x8x128xf32, #tpu.memory_space<vmem>>)
      %jit3A_138 = arith.constant 2 : i32
      %div3A_139 = arith.divsi %add3A_123, %jit3A_138 : i32
      %sign3A_140 = arith.constant 0 : i32
      %sign3A_141 = arith.cmpi sgt, %add3A_123, %sign3A_140 : i32
      %sign3A_142 = arith.extui %sign3A_141 : i1 to i32
      %sign3A_143 = arith.constant 0 : i32
      %sign3A_144 = arith.cmpi slt, %add3A_123, %sign3A_143 : i32
      %sign3A_145 = arith.extui %sign3A_144 : i1 to i32
      %sign3A_146 = arith.subi %sign3A_142, %sign3A_145 : i32
      %sign3A_147 = arith.constant 0 : i32
      %sign3A_148 = arith.cmpi sgt, %jit3A_138, %sign3A_147 : i32
      %sign3A_149 = arith.extui %sign3A_148 : i1 to i32
      %sign3A_150 = arith.constant 0 : i32
      %sign3A_151 = arith.cmpi slt, %jit3A_138, %sign3A_150 : i32
      %sign3A_152 = arith.extui %sign3A_151 : i1 to i32
      %sign3A_153 = arith.subi %sign3A_149, %sign3A_152 : i32
      %ne3A_154 = arith.cmpi ne, %sign3A_146, %sign3A_153 : i32
      %rem3A_155 = arith.remsi %add3A_123, %jit3A_138 : i32
      %ne3A_156 = arith.constant 0 : i32
      %ne3A_157 = arith.cmpi ne, %rem3A_155, %ne3A_156 : i32
      %and3A_158 = arith.andi %ne3A_154, %ne3A_157 : i1
      %sub3A_159 = arith.constant 1 : i32
      %sub3A_160 = arith.subi %div3A_139, %sub3A_159 : i32
      %select_n3A_161 = arith.select %and3A_158, %sub3A_160, %div3A_139 : i32
      %add3A_162 = arith.addi %mul3A_2, %select_n3A_161 : i32
      %dma_start3A_163 = arith.constant 0 : i32
      %dma_start3A_164 = arith.constant 0 : i32
      %dma_start3A_165 = arith.constant 0 : i32
      %dma_start3A_166 = tpu.memref_slice %arg5[%add3A_162, %dma_start3A_163, %dma_start3A_164, %dma_start3A_165] : memref<1024x25x8x128xf32, #tpu.memory_space<hbm>> -> memref<1x25x8x128xf32, #tpu.memory_space<hbm>>
      %dma_start3A_167 = tpu.memref_squeeze %dma_start3A_166 : memref<1x25x8x128xf32, #tpu.memory_space<hbm>> -> memref<25x8x128xf32, #tpu.memory_space<hbm>>
      %dma_start3A_168 = arith.constant 0 : i32
      %dma_start3A_169 = arith.constant 0 : i32
      %dma_start3A_170 = arith.constant 0 : i32
      %dma_start3A_171 = tpu.memref_slice %arg5[%add3A_162, %dma_start3A_168, %dma_start3A_169, %dma_start3A_170] : memref<1024x25x8x128xf32, #tpu.memory_space<hbm>> -> memref<1x25x8x128xf32, #tpu.memory_space<hbm>>
      %dma_start3A_172 = tpu.memref_squeeze %dma_start3A_171 : memref<1x25x8x128xf32, #tpu.memory_space<hbm>> -> memref<25x8x128xf32, #tpu.memory_space<hbm>>
      tpu.enqueue_dma source(%arg8 : memref<25x8x128xf32, #tpu.memory_space<vmem>>) target(%dma_start3A_172 : memref<25x8x128xf32, #tpu.memory_space<hbm>>) target_semaphore(%arg16 : memref<!tpu.dma_semaphore, #tpu.memory_space<semaphore_mem>>)
      %add3A_173 = arith.constant 2 : i32
      %add3A_174 = arith.addi %mul3A_78, %add3A_173 : i32
      %add3A_175 = arith.constant 2 : i32
      %add3A_176 = arith.addi %add3A_174, %add3A_175 : i32
      %lt3A_177 = arith.constant 64 : i32
      %lt3A_178 = arith.cmpi slt, %add3A_176, %lt3A_177 : i32
      %convert_element_type3A_179 = arith.extui %lt3A_178 : i1 to i32
      %cond3A_180 = arith.constant 0 : i32
      %cond3A_181 = arith.cmpi ne, %convert_element_type3A_179, %cond3A_180 : i32
      scf.if %cond3A_181 {
        %ge3A = arith.constant 4 : i32
        %ge3A_275 = arith.cmpi sge, %add3A_176, %ge3A : i32
        %convert_element_type3A_276 = arith.extui %ge3A_275 : i1 to i32
        %cond3A_277 = arith.constant 0 : i32
        %cond3A_278 = arith.cmpi ne, %convert_element_type3A_276, %cond3A_277 : i32
        scf.if %cond3A_278 {
          %sub3A_286 = arith.constant 4 : i32
          %sub3A_287 = arith.subi %add3A_176, %sub3A_286 : i32
          %jit3A_288 = arith.constant 2 : i32
          %div3A_289 = arith.divsi %sub3A_287, %jit3A_288 : i32
          %sign3A_290 = arith.constant 0 : i32
          %sign3A_291 = arith.cmpi sgt, %sub3A_287, %sign3A_290 : i32
          %sign3A_292 = arith.extui %sign3A_291 : i1 to i32
          %sign3A_293 = arith.constant 0 : i32
          %sign3A_294 = arith.cmpi slt, %sub3A_287, %sign3A_293 : i32
          %sign3A_295 = arith.extui %sign3A_294 : i1 to i32
          %sign3A_296 = arith.subi %sign3A_292, %sign3A_295 : i32
          %sign3A_297 = arith.constant 0 : i32
          %sign3A_298 = arith.cmpi sgt, %jit3A_288, %sign3A_297 : i32
          %sign3A_299 = arith.extui %sign3A_298 : i1 to i32
          %sign3A_300 = arith.constant 0 : i32
          %sign3A_301 = arith.cmpi slt, %jit3A_288, %sign3A_300 : i32
          %sign3A_302 = arith.extui %sign3A_301 : i1 to i32
          %sign3A_303 = arith.subi %sign3A_299, %sign3A_302 : i32
          %ne3A_304 = arith.cmpi ne, %sign3A_296, %sign3A_303 : i32
          %rem3A_305 = arith.remsi %sub3A_287, %jit3A_288 : i32
          %ne3A_306 = arith.constant 0 : i32
          %ne3A_307 = arith.cmpi ne, %rem3A_305, %ne3A_306 : i32
          %and3A_308 = arith.andi %ne3A_304, %ne3A_307 : i1
          %sub3A_309 = arith.constant 1 : i32
          %sub3A_310 = arith.subi %div3A_289, %sub3A_309 : i32
          %select_n3A_311 = arith.select %and3A_308, %sub3A_310, %div3A_289 : i32
          %add3A_312 = arith.addi %mul3A_2, %select_n3A_311 : i32
          %dma_wait3A_313 = arith.constant 0 : i32
          %dma_wait3A_314 = arith.constant 0 : i32
          %dma_wait3A_315 = arith.constant 0 : i32
          %dma_wait3A_316 = tpu.memref_slice %arg4[%add3A_312, %dma_wait3A_313, %dma_wait3A_314, %dma_wait3A_315] : memref<1024x25x8x128xf32, #tpu.memory_space<hbm>> -> memref<1x25x8x128xf32, #tpu.memory_space<hbm>>
          %dma_wait3A_317 = tpu.memref_squeeze %dma_wait3A_316 : memref<1x25x8x128xf32, #tpu.memory_space<hbm>> -> memref<25x8x128xf32, #tpu.memory_space<hbm>>
          %dma_wait3A_318 = arith.constant 0 : i32
          %dma_wait3A_319 = arith.constant 0 : i32
          %dma_wait3A_320 = arith.constant 0 : i32
          %dma_wait3A_321 = tpu.memref_slice %arg4[%add3A_312, %dma_wait3A_318, %dma_wait3A_319, %dma_wait3A_320] : memref<1024x25x8x128xf32, #tpu.memory_space<hbm>> -> memref<1x25x8x128xf32, #tpu.memory_space<hbm>>
          %dma_wait3A_322 = tpu.memref_squeeze %dma_wait3A_321 : memref<1x25x8x128xf32, #tpu.memory_space<hbm>> -> memref<25x8x128xf32, #tpu.memory_space<hbm>>
          tpu.wait_dma2 semaphore(%arg15 : memref<!tpu.dma_semaphore, #tpu.memory_space<semaphore_mem>>) src(%arg7 : memref<25x8x128xf32, #tpu.memory_space<vmem>>) dst(%dma_wait3A_322 : memref<25x8x128xf32, #tpu.memory_space<hbm>>)
        } else {
        }
        %mul3A_279 = arith.constant 40 : i32
        %mul3A_280 = arith.muli %add3A_176, %mul3A_279 : i32
        %dma_start3A_281 = tpu.memref_slice %arg6[%mul3A_280] : memref<2560xi32, #tpu.memory_space<vmem>> -> memref<25xi32, #tpu.memory_space<vmem>>
        %dma_start3A_282 = arith.constant 0 : i32
        %dma_start3A_283 = arith.constant 0 : i32
        %dma_start3A_284 = arith.constant 0 : i32
        %dma_start3A_285 = tpu.memref_slice %arg2[%dma_start3A_282, %dma_start3A_283, %dma_start3A_284] : memref<1024x8x128xf32, #tpu.memory_space<hbm>> -> memref<1024x8x128xf32, #tpu.memory_space<hbm>>
        tpu.enqueue_indirect_dma source(%dma_start3A_285 : memref<1024x8x128xf32, #tpu.memory_space<hbm>>) target(%arg7 : memref<25x8x128xf32, #tpu.memory_space<vmem>>) offsets(%dma_start3A_281 : memref<25xi32, #tpu.memory_space<vmem>>) semaphore(%arg11 : memref<!tpu.dma_semaphore, #tpu.memory_space<semaphore_mem>>)
      } else {
      }
      %mul3A_182 = arith.constant 40 : i32
      %mul3A_183 = arith.muli %add3A_174, %mul3A_182 : i32
      %dma_wait3A_184 = tpu.memref_slice %arg6[%mul3A_183] : memref<2560xi32, #tpu.memory_space<vmem>> -> memref<25xi32, #tpu.memory_space<vmem>>
      %dma_wait3A_185 = arith.constant 0 : i32
      %dma_wait3A_186 = arith.constant 0 : i32
      %dma_wait3A_187 = arith.constant 0 : i32
      %dma_wait3A_188 = tpu.memref_slice %arg2[%dma_wait3A_185, %dma_wait3A_186, %dma_wait3A_187] : memref<1024x8x128xf32, #tpu.memory_space<hbm>> -> memref<1024x8x128xf32, #tpu.memory_space<hbm>>
      tpu.wait_indirect_dma semaphore(%arg13 : memref<!tpu.dma_semaphore, #tpu.memory_space<semaphore_mem>>) src(%dma_wait3A_188 : memref<1024x8x128xf32, #tpu.memory_space<hbm>>) dst(%arg9 : memref<25x8x128xf32, #tpu.memory_space<vmem>>)
      %jit3A_189 = arith.constant 2 : i32
      %div3A_190 = arith.divsi %add3A_174, %jit3A_189 : i32
      %sign3A_191 = arith.constant 0 : i32
      %sign3A_192 = arith.cmpi sgt, %add3A_174, %sign3A_191 : i32
      %sign3A_193 = arith.extui %sign3A_192 : i1 to i32
      %sign3A_194 = arith.constant 0 : i32
      %sign3A_195 = arith.cmpi slt, %add3A_174, %sign3A_194 : i32
      %sign3A_196 = arith.extui %sign3A_195 : i1 to i32
      %sign3A_197 = arith.subi %sign3A_193, %sign3A_196 : i32
      %sign3A_198 = arith.constant 0 : i32
      %sign3A_199 = arith.cmpi sgt, %jit3A_189, %sign3A_198 : i32
      %sign3A_200 = arith.extui %sign3A_199 : i1 to i32
      %sign3A_201 = arith.constant 0 : i32
      %sign3A_202 = arith.cmpi slt, %jit3A_189, %sign3A_201 : i32
      %sign3A_203 = arith.extui %sign3A_202 : i1 to i32
      %sign3A_204 = arith.subi %sign3A_200, %sign3A_203 : i32
      %ne3A_205 = arith.cmpi ne, %sign3A_197, %sign3A_204 : i32
      %rem3A_206 = arith.remsi %add3A_174, %jit3A_189 : i32
      %ne3A_207 = arith.constant 0 : i32
      %ne3A_208 = arith.cmpi ne, %rem3A_206, %ne3A_207 : i32
      %and3A_209 = arith.andi %ne3A_205, %ne3A_208 : i1
      %sub3A_210 = arith.constant 1 : i32
      %sub3A_211 = arith.subi %div3A_190, %sub3A_210 : i32
      %select_n3A_212 = arith.select %and3A_209, %sub3A_211, %div3A_190 : i32
      %add3A_213 = arith.addi %mul3A_2, %select_n3A_212 : i32
      %dma_start3A_214 = arith.constant 0 : i32
      %dma_start3A_215 = arith.constant 0 : i32
      %dma_start3A_216 = arith.constant 0 : i32
      %dma_start3A_217 = tpu.memref_slice %arg4[%add3A_213, %dma_start3A_214, %dma_start3A_215, %dma_start3A_216] : memref<1024x25x8x128xf32, #tpu.memory_space<hbm>> -> memref<1x25x8x128xf32, #tpu.memory_space<hbm>>
      %dma_start3A_218 = tpu.memref_squeeze %dma_start3A_217 : memref<1x25x8x128xf32, #tpu.memory_space<hbm>> -> memref<25x8x128xf32, #tpu.memory_space<hbm>>
      %dma_start3A_219 = arith.constant 0 : i32
      %dma_start3A_220 = arith.constant 0 : i32
      %dma_start3A_221 = arith.constant 0 : i32
      %dma_start3A_222 = tpu.memref_slice %arg4[%add3A_213, %dma_start3A_219, %dma_start3A_220, %dma_start3A_221] : memref<1024x25x8x128xf32, #tpu.memory_space<hbm>> -> memref<1x25x8x128xf32, #tpu.memory_space<hbm>>
      %dma_start3A_223 = tpu.memref_squeeze %dma_start3A_222 : memref<1x25x8x128xf32, #tpu.memory_space<hbm>> -> memref<25x8x128xf32, #tpu.memory_space<hbm>>
      tpu.enqueue_dma source(%arg9 : memref<25x8x128xf32, #tpu.memory_space<vmem>>) target(%dma_start3A_223 : memref<25x8x128xf32, #tpu.memory_space<hbm>>) target_semaphore(%arg17 : memref<!tpu.dma_semaphore, #tpu.memory_space<semaphore_mem>>)
      %add3A_224 = arith.constant 3 : i32
      %add3A_225 = arith.addi %mul3A_78, %add3A_224 : i32
      %add3A_226 = arith.constant 2 : i32
      %add3A_227 = arith.addi %add3A_225, %add3A_226 : i32
      %lt3A_228 = arith.constant 64 : i32
      %lt3A_229 = arith.cmpi slt, %add3A_227, %lt3A_228 : i32
      %convert_element_type3A_230 = arith.extui %lt3A_229 : i1 to i32
      %cond3A_231 = arith.constant 0 : i32
      %cond3A_232 = arith.cmpi ne, %convert_element_type3A_230, %cond3A_231 : i32
      scf.if %cond3A_232 {
        %ge3A = arith.constant 4 : i32
        %ge3A_275 = arith.cmpi sge, %add3A_227, %ge3A : i32
        %convert_element_type3A_276 = arith.extui %ge3A_275 : i1 to i32
        %cond3A_277 = arith.constant 0 : i32
        %cond3A_278 = arith.cmpi ne, %convert_element_type3A_276, %cond3A_277 : i32
        scf.if %cond3A_278 {
          %sub3A_286 = arith.constant 4 : i32
          %sub3A_287 = arith.subi %add3A_227, %sub3A_286 : i32
          %jit3A_288 = arith.constant 2 : i32
          %div3A_289 = arith.divsi %sub3A_287, %jit3A_288 : i32
          %sign3A_290 = arith.constant 0 : i32
          %sign3A_291 = arith.cmpi sgt, %sub3A_287, %sign3A_290 : i32
          %sign3A_292 = arith.extui %sign3A_291 : i1 to i32
          %sign3A_293 = arith.constant 0 : i32
          %sign3A_294 = arith.cmpi slt, %sub3A_287, %sign3A_293 : i32
          %sign3A_295 = arith.extui %sign3A_294 : i1 to i32
          %sign3A_296 = arith.subi %sign3A_292, %sign3A_295 : i32
          %sign3A_297 = arith.constant 0 : i32
          %sign3A_298 = arith.cmpi sgt, %jit3A_288, %sign3A_297 : i32
          %sign3A_299 = arith.extui %sign3A_298 : i1 to i32
          %sign3A_300 = arith.constant 0 : i32
          %sign3A_301 = arith.cmpi slt, %jit3A_288, %sign3A_300 : i32
          %sign3A_302 = arith.extui %sign3A_301 : i1 to i32
          %sign3A_303 = arith.subi %sign3A_299, %sign3A_302 : i32
          %ne3A_304 = arith.cmpi ne, %sign3A_296, %sign3A_303 : i32
          %rem3A_305 = arith.remsi %sub3A_287, %jit3A_288 : i32
          %ne3A_306 = arith.constant 0 : i32
          %ne3A_307 = arith.cmpi ne, %rem3A_305, %ne3A_306 : i32
          %and3A_308 = arith.andi %ne3A_304, %ne3A_307 : i1
          %sub3A_309 = arith.constant 1 : i32
          %sub3A_310 = arith.subi %div3A_289, %sub3A_309 : i32
          %select_n3A_311 = arith.select %and3A_308, %sub3A_310, %div3A_289 : i32
          %add3A_312 = arith.addi %mul3A_2, %select_n3A_311 : i32
          %dma_wait3A_313 = arith.constant 0 : i32
          %dma_wait3A_314 = arith.constant 0 : i32
          %dma_wait3A_315 = arith.constant 0 : i32
          %dma_wait3A_316 = tpu.memref_slice %arg5[%add3A_312, %dma_wait3A_313, %dma_wait3A_314, %dma_wait3A_315] : memref<1024x25x8x128xf32, #tpu.memory_space<hbm>> -> memref<1x25x8x128xf32, #tpu.memory_space<hbm>>
          %dma_wait3A_317 = tpu.memref_squeeze %dma_wait3A_316 : memref<1x25x8x128xf32, #tpu.memory_space<hbm>> -> memref<25x8x128xf32, #tpu.memory_space<hbm>>
          %dma_wait3A_318 = arith.constant 0 : i32
          %dma_wait3A_319 = arith.constant 0 : i32
          %dma_wait3A_320 = arith.constant 0 : i32
          %dma_wait3A_321 = tpu.memref_slice %arg5[%add3A_312, %dma_wait3A_318, %dma_wait3A_319, %dma_wait3A_320] : memref<1024x25x8x128xf32, #tpu.memory_space<hbm>> -> memref<1x25x8x128xf32, #tpu.memory_space<hbm>>
          %dma_wait3A_322 = tpu.memref_squeeze %dma_wait3A_321 : memref<1x25x8x128xf32, #tpu.memory_space<hbm>> -> memref<25x8x128xf32, #tpu.memory_space<hbm>>
          tpu.wait_dma2 semaphore(%arg16 : memref<!tpu.dma_semaphore, #tpu.memory_space<semaphore_mem>>) src(%arg8 : memref<25x8x128xf32, #tpu.memory_space<vmem>>) dst(%dma_wait3A_322 : memref<25x8x128xf32, #tpu.memory_space<hbm>>)
        } else {
        }
        %mul3A_279 = arith.constant 40 : i32
        %mul3A_280 = arith.muli %add3A_227, %mul3A_279 : i32
        %dma_start3A_281 = tpu.memref_slice %arg6[%mul3A_280] : memref<2560xi32, #tpu.memory_space<vmem>> -> memref<25xi32, #tpu.memory_space<vmem>>
        %dma_start3A_282 = arith.constant 0 : i32
        %dma_start3A_283 = arith.constant 0 : i32
        %dma_start3A_284 = arith.constant 0 : i32
        %dma_start3A_285 = tpu.memref_slice %arg2[%dma_start3A_282, %dma_start3A_283, %dma_start3A_284] : memref<1024x8x128xf32, #tpu.memory_space<hbm>> -> memref<1024x8x128xf32, #tpu.memory_space<hbm>>
        tpu.enqueue_indirect_dma source(%dma_start3A_285 : memref<1024x8x128xf32, #tpu.memory_space<hbm>>) target(%arg8 : memref<25x8x128xf32, #tpu.memory_space<vmem>>) offsets(%dma_start3A_281 : memref<25xi32, #tpu.memory_space<vmem>>) semaphore(%arg12 : memref<!tpu.dma_semaphore, #tpu.memory_space<semaphore_mem>>)
      } else {
      }
      %mul3A_233 = arith.constant 40 : i32
      %mul3A_234 = arith.muli %add3A_225, %mul3A_233 : i32
      %dma_wait3A_235 = tpu.memref_slice %arg6[%mul3A_234] : memref<2560xi32, #tpu.memory_space<vmem>> -> memref<25xi32, #tpu.memory_space<vmem>>
      %dma_wait3A_236 = arith.constant 0 : i32
      %dma_wait3A_237 = arith.constant 0 : i32
      %dma_wait3A_238 = arith.constant 0 : i32
      %dma_wait3A_239 = tpu.memref_slice %arg2[%dma_wait3A_236, %dma_wait3A_237, %dma_wait3A_238] : memref<1024x8x128xf32, #tpu.memory_space<hbm>> -> memref<1024x8x128xf32, #tpu.memory_space<hbm>>
      tpu.wait_indirect_dma semaphore(%arg14 : memref<!tpu.dma_semaphore, #tpu.memory_space<semaphore_mem>>) src(%dma_wait3A_239 : memref<1024x8x128xf32, #tpu.memory_space<hbm>>) dst(%arg10 : memref<25x8x128xf32, #tpu.memory_space<vmem>>)
      %jit3A_240 = arith.constant 2 : i32
      %div3A_241 = arith.divsi %add3A_225, %jit3A_240 : i32
      %sign3A_242 = arith.constant 0 : i32
      %sign3A_243 = arith.cmpi sgt, %add3A_225, %sign3A_242 : i32
      %sign3A_244 = arith.extui %sign3A_243 : i1 to i32
      %sign3A_245 = arith.constant 0 : i32
      %sign3A_246 = arith.cmpi slt, %add3A_225, %sign3A_245 : i32
      %sign3A_247 = arith.extui %sign3A_246 : i1 to i32
      %sign3A_248 = arith.subi %sign3A_244, %sign3A_247 : i32
      %sign3A_249 = arith.constant 0 : i32
      %sign3A_250 = arith.cmpi sgt, %jit3A_240, %sign3A_249 : i32
      %sign3A_251 = arith.extui %sign3A_250 : i1 to i32
      %sign3A_252 = arith.constant 0 : i32
      %sign3A_253 = arith.cmpi slt, %jit3A_240, %sign3A_252 : i32
      %sign3A_254 = arith.extui %sign3A_253 : i1 to i32
      %sign3A_255 = arith.subi %sign3A_251, %sign3A_254 : i32
      %ne3A_256 = arith.cmpi ne, %sign3A_248, %sign3A_255 : i32
      %rem3A_257 = arith.remsi %add3A_225, %jit3A_240 : i32
      %ne3A_258 = arith.constant 0 : i32
      %ne3A_259 = arith.cmpi ne, %rem3A_257, %ne3A_258 : i32
      %and3A_260 = arith.andi %ne3A_256, %ne3A_259 : i1
      %sub3A_261 = arith.constant 1 : i32
      %sub3A_262 = arith.subi %div3A_241, %sub3A_261 : i32
      %select_n3A_263 = arith.select %and3A_260, %sub3A_262, %div3A_241 : i32
      %add3A_264 = arith.addi %mul3A_2, %select_n3A_263 : i32
      %dma_start3A_265 = arith.constant 0 : i32
      %dma_start3A_266 = arith.constant 0 : i32
      %dma_start3A_267 = arith.constant 0 : i32
      %dma_start3A_268 = tpu.memref_slice %arg5[%add3A_264, %dma_start3A_265, %dma_start3A_266, %dma_start3A_267] : memref<1024x25x8x128xf32, #tpu.memory_space<hbm>> -> memref<1x25x8x128xf32, #tpu.memory_space<hbm>>
      %dma_start3A_269 = tpu.memref_squeeze %dma_start3A_268 : memref<1x25x8x128xf32, #tpu.memory_space<hbm>> -> memref<25x8x128xf32, #tpu.memory_space<hbm>>
      %dma_start3A_270 = arith.constant 0 : i32
      %dma_start3A_271 = arith.constant 0 : i32
      %dma_start3A_272 = arith.constant 0 : i32
      %dma_start3A_273 = tpu.memref_slice %arg5[%add3A_264, %dma_start3A_270, %dma_start3A_271, %dma_start3A_272] : memref<1024x25x8x128xf32, #tpu.memory_space<hbm>> -> memref<1x25x8x128xf32, #tpu.memory_space<hbm>>
      %dma_start3A_274 = tpu.memref_squeeze %dma_start3A_273 : memref<1x25x8x128xf32, #tpu.memory_space<hbm>> -> memref<25x8x128xf32, #tpu.memory_space<hbm>>
      tpu.enqueue_dma source(%arg10 : memref<25x8x128xf32, #tpu.memory_space<vmem>>) target(%dma_start3A_274 : memref<25x8x128xf32, #tpu.memory_space<hbm>>) target_semaphore(%arg18 : memref<!tpu.dma_semaphore, #tpu.memory_space<semaphore_mem>>)
    }
    %scan3A_28 = arith.constant 16 : i32
    %add3A_29 = arith.constant 30 : i32
    %add3A_30 = arith.addi %mul3A_2, %add3A_29 : i32
    %dma_wait3A = arith.constant 0 : i32
    %dma_wait3A_31 = arith.constant 0 : i32
    %dma_wait3A_32 = arith.constant 0 : i32
    %dma_wait3A_33 = tpu.memref_slice %arg4[%add3A_30, %dma_wait3A, %dma_wait3A_31, %dma_wait3A_32] : memref<1024x25x8x128xf32, #tpu.memory_space<hbm>> -> memref<1x25x8x128xf32, #tpu.memory_space<hbm>>
    %dma_wait3A_34 = tpu.memref_squeeze %dma_wait3A_33 : memref<1x25x8x128xf32, #tpu.memory_space<hbm>> -> memref<25x8x128xf32, #tpu.memory_space<hbm>>
    %dma_wait3A_35 = arith.constant 0 : i32
    %dma_wait3A_36 = arith.constant 0 : i32
    %dma_wait3A_37 = arith.constant 0 : i32
    %dma_wait3A_38 = tpu.memref_slice %arg4[%add3A_30, %dma_wait3A_35, %dma_wait3A_36, %dma_wait3A_37] : memref<1024x25x8x128xf32, #tpu.memory_space<hbm>> -> memref<1x25x8x128xf32, #tpu.memory_space<hbm>>
    %dma_wait3A_39 = tpu.memref_squeeze %dma_wait3A_38 : memref<1x25x8x128xf32, #tpu.memory_space<hbm>> -> memref<25x8x128xf32, #tpu.memory_space<hbm>>
    tpu.wait_dma2 semaphore(%arg15 : memref<!tpu.dma_semaphore, #tpu.memory_space<semaphore_mem>>) src(%arg7 : memref<25x8x128xf32, #tpu.memory_space<vmem>>) dst(%dma_wait3A_39 : memref<25x8x128xf32, #tpu.memory_space<hbm>>)
    %add3A_40 = arith.constant 30 : i32
    %add3A_41 = arith.addi %mul3A_2, %add3A_40 : i32
    %dma_wait3A_42 = arith.constant 0 : i32
    %dma_wait3A_43 = arith.constant 0 : i32
    %dma_wait3A_44 = arith.constant 0 : i32
    %dma_wait3A_45 = tpu.memref_slice %arg5[%add3A_41, %dma_wait3A_42, %dma_wait3A_43, %dma_wait3A_44] : memref<1024x25x8x128xf32, #tpu.memory_space<hbm>> -> memref<1x25x8x128xf32, #tpu.memory_space<hbm>>
    %dma_wait3A_46 = tpu.memref_squeeze %dma_wait3A_45 : memref<1x25x8x128xf32, #tpu.memory_space<hbm>> -> memref<25x8x128xf32, #tpu.memory_space<hbm>>
    %dma_wait3A_47 = arith.constant 0 : i32
    %dma_wait3A_48 = arith.constant 0 : i32
    %dma_wait3A_49 = arith.constant 0 : i32
    %dma_wait3A_50 = tpu.memref_slice %arg5[%add3A_41, %dma_wait3A_47, %dma_wait3A_48, %dma_wait3A_49] : memref<1024x25x8x128xf32, #tpu.memory_space<hbm>> -> memref<1x25x8x128xf32, #tpu.memory_space<hbm>>
    %dma_wait3A_51 = tpu.memref_squeeze %dma_wait3A_50 : memref<1x25x8x128xf32, #tpu.memory_space<hbm>> -> memref<25x8x128xf32, #tpu.memory_space<hbm>>
    tpu.wait_dma2 semaphore(%arg16 : memref<!tpu.dma_semaphore, #tpu.memory_space<semaphore_mem>>) src(%arg8 : memref<25x8x128xf32, #tpu.memory_space<vmem>>) dst(%dma_wait3A_51 : memref<25x8x128xf32, #tpu.memory_space<hbm>>)
    %add3A_52 = arith.constant 31 : i32
    %add3A_53 = arith.addi %mul3A_2, %add3A_52 : i32
    %dma_wait3A_54 = arith.constant 0 : i32
    %dma_wait3A_55 = arith.constant 0 : i32
    %dma_wait3A_56 = arith.constant 0 : i32
    %dma_wait3A_57 = tpu.memref_slice %arg4[%add3A_53, %dma_wait3A_54, %dma_wait3A_55, %dma_wait3A_56] : memref<1024x25x8x128xf32, #tpu.memory_space<hbm>> -> memref<1x25x8x128xf32, #tpu.memory_space<hbm>>
    %dma_wait3A_58 = tpu.memref_squeeze %dma_wait3A_57 : memref<1x25x8x128xf32, #tpu.memory_space<hbm>> -> memref<25x8x128xf32, #tpu.memory_space<hbm>>
    %dma_wait3A_59 = arith.constant 0 : i32
    %dma_wait3A_60 = arith.constant 0 : i32
    %dma_wait3A_61 = arith.constant 0 : i32
    %dma_wait3A_62 = tpu.memref_slice %arg4[%add3A_53, %dma_wait3A_59, %dma_wait3A_60, %dma_wait3A_61] : memref<1024x25x8x128xf32, #tpu.memory_space<hbm>> -> memref<1x25x8x128xf32, #tpu.memory_space<hbm>>
    %dma_wait3A_63 = tpu.memref_squeeze %dma_wait3A_62 : memref<1x25x8x128xf32, #tpu.memory_space<hbm>> -> memref<25x8x128xf32, #tpu.memory_space<hbm>>
    tpu.wait_dma2 semaphore(%arg17 : memref<!tpu.dma_semaphore, #tpu.memory_space<semaphore_mem>>) src(%arg9 : memref<25x8x128xf32, #tpu.memory_space<vmem>>) dst(%dma_wait3A_63 : memref<25x8x128xf32, #tpu.memory_space<hbm>>)
    %add3A_64 = arith.constant 31 : i32
    %add3A_65 = arith.addi %mul3A_2, %add3A_64 : i32
    %dma_wait3A_66 = arith.constant 0 : i32
    %dma_wait3A_67 = arith.constant 0 : i32
    %dma_wait3A_68 = arith.constant 0 : i32
    %dma_wait3A_69 = tpu.memref_slice %arg5[%add3A_65, %dma_wait3A_66, %dma_wait3A_67, %dma_wait3A_68] : memref<1024x25x8x128xf32, #tpu.memory_space<hbm>> -> memref<1x25x8x128xf32, #tpu.memory_space<hbm>>
    %dma_wait3A_70 = tpu.memref_squeeze %dma_wait3A_69 : memref<1x25x8x128xf32, #tpu.memory_space<hbm>> -> memref<25x8x128xf32, #tpu.memory_space<hbm>>
    %dma_wait3A_71 = arith.constant 0 : i32
    %dma_wait3A_72 = arith.constant 0 : i32
    %dma_wait3A_73 = arith.constant 0 : i32
    %dma_wait3A_74 = tpu.memref_slice %arg5[%add3A_65, %dma_wait3A_71, %dma_wait3A_72, %dma_wait3A_73] : memref<1024x25x8x128xf32, #tpu.memory_space<hbm>> -> memref<1x25x8x128xf32, #tpu.memory_space<hbm>>
    %dma_wait3A_75 = tpu.memref_squeeze %dma_wait3A_74 : memref<1x25x8x128xf32, #tpu.memory_space<hbm>> -> memref<25x8x128xf32, #tpu.memory_space<hbm>>
    tpu.wait_dma2 semaphore(%arg18 : memref<!tpu.dma_semaphore, #tpu.memory_space<semaphore_mem>>) src(%arg10 : memref<25x8x128xf32, #tpu.memory_space<vmem>>) dst(%dma_wait3A_75 : memref<25x8x128xf32, #tpu.memory_space<hbm>>)
    return
  }
}

</mosaic_0001>

<sc_bundles>
// kernel: kernel.3.cloned.1.call-start
scs
__scs_entry_jumppad:
0x0: {  	(pc) =	sbr.rel $0x88, $3  }
0x1: {  	(tag) =	ssettag $0x0;
	lr =	simm.s32 $0x1  }
0x2: {  	[smem:$0x3F9F] =	sst lr;
	_ =	strace $0xD0000000  }
0x3: {  	_ = 	snop  }
0x4: {  	_ = 	snop  }
0x5: {  	_ = 	snop  }
0x6: {  	_ = 	snop  }
0x7: {  	_ = 	snop  }
__scs_overlays_trampoline_lowered:
0x8: {  	[smem:$0x3FAE] =	sst s0  }
0x9: {  	[smem:$0x3FAF] =	sst s1  }
0xa: {  	[smem:$0x3FB0] =	sst s2  }
0xb: {  	[smem:$0x3FB1] =	sst s3  }
0xc: {  	[smem:$0x3FB2] =	sst s4  }
0xd: {  	[smem:$0x3FB3] =	sst s5  }
0xe: {  	[smem:$0x3FB4] =	sst s6  }
0xf: {  	[smem:$0x3FB5] =	sst s7  }
0x10: {  	[smem:$0x3FB6] =	sst s8  }
0x11: {  	[smem:$0x3FB7] =	sst s9;
	s0 =	simm.s32 @!p0 $0x0  }
0x12: {  	s1 =	sld [smem:$0x3F9D];
	s0 =	simm.s32 @p0 $0x1  }
0x13: {  	[smem:$0x3FB8] =	sst s0;
	s0 =	simm.s32 @!p1 $0x0  }
0x14: {  	s2 =	sld [smem:$0x3F9C];
	s0 =	simm.s32 @p1 $0x1  }
0x15: {  	[smem:$0x3FB9] =	sst s0;
	s0 =	simm.s32 @!p2 $0x0  }
0x16: {  	s3 =	sld [smem:$0x3FDB];
	s0 =	simm.s32 @p2 $0x1  }
0x17: {  	s4 =	simm.s32 $0x1BF5;
	[smem:$0x3FBB] =	sst s0  }
0x18: {  	s0 =	sld [smem:$0x3F9E];
	_ =	swait.ge [sflag:s4], $0x0  }
0x19: {  	s7 =	sld [smem:$0x3F9F]  }
0x1a: {  	s8 =	sadd.s32 $0xFFFFE003, lr  }
0x1b: {  	s9 =	sadd.s32 $0xFFFFFEF7, lr;
	s5 =	simm.s32 $0xFFFFFFFF;
	p2 =	slt.u32 s8, $0xFFFFF086  }
0x1c: {  	p1 =	slt.u32 s9, $0xF7A;
	s5 =	simm.s32 @!p2 $0x0  }
0x1d: {  	s5 =	simm.s32 @p1 $0x1;
	p0 =	seq.s32 s7, s2  }
0x1e: {  	s7 =	smul.u32 @!p0 $0xF7A, s2;
	p2 =	seq.s32 @!p0 s5, $0x0  }
0x1f: {  	s9 =	smul.u32 $0xF7A, s1;
	s8 =	simm.s32 @!p0 $0x1BF5;
	p2 =	por !p2, p0  }
0x20: {  	[sflag:s8] =	ssyncset.s32 @!p0 $0xFFFFF086;
	s6 =	sadd.s32 @!p0 s3, s7;
	s7 =	simm.s32 @!p0 $0x108  }
0x21: {  	s3 =	sadd.s32 s3, s9;
	s6 =	sadd.s32 @!p0 $0x88, s6;
	s7 =	simm.s32 @p2 $0x1082  }
0x22: {  	[simem:s7], [sflag:s8] =	dma.local @!p0 [hbm:s6], $0xF7A  }
0x23: {  	s9 =	sor.u32 $0xD0000000, s2;
	s6 =	simm.s32 $0x108;
	_ =	swait.ge @!p0 [sflag:s8], $0x0  }
0x24: {  	s3 =	sadd.s32 $0x88, s3;
	s6 =	simm.s32 @!p1 $0x1082;
	[sflag:s4] =	ssyncset.s32 $0xFFFFF086  }
0x25: {  	[simem:s6], [sflag:s4] =	dma.local [hbm:s3], $0xF7A  }
0x26: {  	[smem:$0x3F9F] =	sst s1;
	(tag) =	ssettag s2;
	_ =	strace s9  }
0x27: {  	s1 =	sld [smem:$0x3FAF]  }
0x28: {  	s2 =	sld [smem:$0x3FB0]  }
0x29: {  	s4 =	sld [smem:$0x3FB2]  }
0x2a: {  	p0 =	seq.s32 s5, $0x0;
	s5 =	sld [smem:$0x3FB3]  }
0x2b: {  	s6 =	sld [smem:$0x3FB4]  }
0x2c: {  	s7 =	sld [smem:$0x3FB5]  }
0x2d: {  	s3 =	simm.s32 $0x108;
	s8 =	sld [smem:$0x3FB6]  }
0x2e: {  	s3 =	simm.s32 @!p0 $0x1082;
	s9 =	sld [smem:$0x3FB7]  }
0x2f: {  	lr =	sadd.s32 s0, s3;
	s0 =	sld [smem:$0x3FAE]  }
0x30: {  	s3 =	sld [smem:$0x3FB1]  }
0x31: {  	[smem:$0x3FBA] =	sst s10  }
0x32: {  	s10 =	sld [smem:$0x3FB8];
	_ =	sdelay $0x3  }
0x33: {  	p0 =	seq.s32 s10, $0x1;
	s10 =	sld [smem:$0x3FBA];
	_ =	sdelay $0x3  }
0x34: {  	[smem:$0x3FBA] =	sst s10  }
0x35: {  	s10 =	sld [smem:$0x3FB9];
	_ =	sdelay $0x3  }
0x36: {  	p1 =	seq.s32 s10, $0x1;
	s10 =	sld [smem:$0x3FBA];
	_ =	sdelay $0x3  }
0x37: {  	[smem:$0x3FBA] =	sst s10  }
0x38: {  	s10 =	sld [smem:$0x3FBB]  }
0x39: {  	_ = 	snop;
	(pc) =	sbr.ind lr, $3  }
0x3a: {  	_ = 	snop  }
0x3b: {  	_ = 	snop  }
0x3c: {  	p2 =	seq.s32 s10, $0x1;
	s10 =	sld [smem:$0x3FBA]  }
0x3d: {  	_ =	shalt  }
0x3e: {  	_ =	shalt  }
0x3f: {  	_ =	shalt  }
0x40: {  	_ =	shalt  }
0x41: {  	_ =	shalt  }
0x42: {  	_ =	shalt  }
0x43: {  	_ =	shalt  }
0x44: {  	_ =	shalt  }
0x45: {  	_ =	shalt  }
0x46: {  	_ =	shalt  }
0x47: {  	_ =	shalt  }
0x48: {  	_ =	shalt  }
0x49: {  	_ =	shalt  }
0x4a: {  	_ =	shalt  }
0x4b: {  	_ =	shalt  }
0x4c: {  	_ =	shalt  }
0x4d: {  	_ =	shalt  }
0x4e: {  	_ =	shalt  }
0x4f: {  	_ =	shalt  }
0x50: {  	_ =	shalt  }
0x51: {  	_ =	shalt  }
0x52: {  	_ =	shalt  }
0x53: {  	_ =	shalt  }
0x54: {  	_ =	shalt  }
0x55: {  	_ =	shalt  }
0x56: {  	_ =	shalt  }
0x57: {  	_ =	shalt  }
0x58: {  	_ =	shalt  }
0x59: {  	_ =	shalt  }
0x5a: {  	_ =	shalt  }
0x5b: {  	_ =	shalt  }
0x5c: {  	_ =	shalt  }
0x5d: {  	_ =	shalt  }
0x5e: {  	_ =	shalt  }
0x5f: {  	_ =	shalt  }
0x60: {  	_ =	shalt  }
0x61: {  	_ =	shalt  }
0x62: {  	_ =	shalt  }
0x63: {  	_ =	shalt  }
0x64: {  	_ =	shalt  }
0x65: {  	_ =	shalt  }
0x66: {  	_ =	shalt  }
0x67: {  	_ =	shalt  }
0x68: {  	_ =	shalt  }
0x69: {  	_ =	shalt  }
0x6a: {  	_ =	shalt  }
0x6b: {  	_ =	shalt  }
0x6c: {  	_ =	shalt  }
0x6d: {  	_ =	shalt  }
0x6e: {  	_ =	shalt  }
0x6f: {  	_ =	shalt  }
0x70: {  	_ =	shalt  }
0x71: {  	_ =	shalt  }
0x72: {  	_ =	shalt  }
0x73: {  	_ =	shalt  }
0x74: {  	_ =	shalt  }
0x75: {  	_ =	shalt  }
0x76: {  	_ =	shalt  }
0x77: {  	_ =	shalt  }
0x78: {  	_ =	shalt  }
0x79: {  	_ =	shalt  }
0x7a: {  	_ =	shalt  }
0x7b: {  	_ =	shalt  }
0x7c: {  	_ =	shalt  }
0x7d: {  	_ =	shalt  }
0x7e: {  	_ =	shalt  }
0x7f: {  	_ =	shalt  }
0x80: {  	_ =	shalt  }
0x81: {  	_ =	shalt  }
0x82: {  	_ =	shalt  }
0x83: {  	_ =	shalt  }
0x84: {  	_ =	shalt  }
0x85: {  	_ =	shalt  }
0x86: {  	_ =	shalt  }
0x87: {  	_ =	shalt  }
.Lfunc_end0:
.L_simem_size_0:
called_computation.1_lowered:
.L_overlay_start_0:
0x88: {  	s2 =	sld [smem:$0x3FD9]  }
0x89: {  	s3 =	sld [smem:$0x3FFE];
	_ =	sdelay $0x1  }
0x8a: {  	s1 =	srdreg.scid  }
0x8b: {  	s0 =	sand.u32 $0x1, s1  }
0x8c: {  	s17 =	sshll.u32 s0, $0xA;
	s2 =	sadd.s32 s3, s2  }
0x8d: {  	s2 =	sadd.s32 s2, s17  }
0x8e: {  	[smem:$0x3FC6] =	sst s2  }
0x8f: {  	_ = 	snop  }
0x90: {  	s2 =	sld [smem:$0x3FD0];
	(tm) =	ssettm $0x1  }
0x91: {  	s18 =	sld [smem:$0x3FFB];
	_ =	sdelay $0x3  }
0x92: {  	_ =	strace s18  }
0x93: {  	s3 =	sld [smem:$0x3FFC];
	_ =	sdelay $0x3  }
0x94: {  	_ =	strace s3  }
0x95: {  	s3 =	sld [smem:$0x3FFD];
	_ =	sdelay $0x3  }
0x96: {  	_ =	strace s3  }
0x97: {  	_ =	strace $0x8FFFFFFF  }
0x98: {  	s19 =	sld [smem:$0x3FDB];
	_ =	sdelay $0x1  }
0x99: {  	s4 =	simm.s32 $_scs_section_size  }
0x9a: {  	s5 =	simm.s32 $_size__tile_overlayer_lowered;
	s6 =	simm.s32 $_tile_overlayer_lowered  }
0x9b: {  	s22 =	simm.s32 $0x1BFF;
	s21 =	sshll.u32 s6, $0x1;
	s3 =	sadd.s32 s4, s19  }
0x9c: {  	s7 =	simm.s32 $0x0;
	s20 =	sshll.u32 s5, $0x1;
	s5 =	sadd.s32 s21, s3  }
0x9d: {  	[timem:s7], [sflag:s22] =	dma.local [hbm:s5], s20  }
0x9e: {  	_ =	swait.ge [sflag:s22], s20  }
0x9f: {  	s4 =	ssub.s32 $0x0, s20;
	[sflag:s22] =	ssyncset.done $0x0  }
0xa0: {  	[sflag:s22] =	ssyncadd.s32 s4;
	_ =	sdelay $0x1  }
0xa1: {  	s23 =	simm.s32 $0x1B8B  }
0xa2: {  	_ =	swait.ge [sflag:s23], $0x1  }
0xa3: {  	[sflag:s23] =	ssyncset.done $0x0  }
0xa4: {  	s25 =	simm.s32 $0x1B8E;
	s24 =	sld [smem:$0x3FFE];
	[sflag:s23] =	ssyncadd.s32 $0xFFFFFFFF  }
0xa5: {  	s26 =	simm.s32 $execute0_lowered;
	[smem:$0x3FD2] =	sst s25  }
0xa6: {  	s5 =	sshll.u32 s26, $0x1;
	_ =	strace $0x80000046;
	[dreg:$0x1] =	wrdreg $0xFFFFFFFF  }
0xa7: {  	s28 =	simm.s32 $_size_execute0_lowered;
	s3 =	sadd.s32 s3, s5;
	[dreg:$0x0] =	wrdreg $0x0  }
0xa8: {  	s5 =	sshll.u32 s28, $0x1;
	[dreg:$0x2] =	wrdreg s3  }
0xa9: {  	[dreg:$0x3] =	wrdreg s5  }
0xaa: {  	[dreg:$0x4] =	wrdreg $0xC0  }
0xab: {  	_ =	task [dreg:s7], $0x5FFFF  }
0xac: {  	[dreg:$0x1] =	wrdreg $0xFFFFFFFF  }
0xad: {  	[dreg:$0x0] =	wrdreg $0x60  }
0xae: {  	[dreg:$0x2] =	wrdreg s24  }
0xaf: {  	[dreg:$0x3] =	wrdreg s2  }
0xb0: {  	[dreg:$0x4] =	wrdreg $0x9  }
0xb1: {  	_ =	task.clear_ibuf [dreg:s7], $0x5FFFF;
	_ =	strace $0x90000046  }
0xb2: {  	s29 =	simm.s32 $0x9;
	_ =	strace $0x80000048  }
0xb3: {  	_ =	swait.ge [sflag:s29], $0x1  }
0xb4: {  	[sflag:s29] =	ssyncadd.s32 $0xFFFFFFFF  }
0xb5: {  	_ =	strace $0x90000048  }
0xb6: {  	_ =	sfence  }
0xb7: {  	s30 =	sld [smem:$0x0];
	_ =	sdelay $0x2  }
0xb8: {  	s31 =	sshll.u32 s1, $0xD;
	s1 =	sshrl.u32 s1, $0x2  }
0xb9: {  	s3 =	sand.u32 $0x4000, s31;
	s1 =	sadd.s32 s1, s30  }
0xba: {  	s0 =	sor.u32 s3, s0;
	s1 =	sshll.u32 s1, $0x11  }
0xbb: {  	s0 =	sor.u32 s1, s0  }
0xbc: {  	s0 =	sadd.s32 $0x8F2B, s0  }
0xbd: {  	[sflag:s0] =	ssyncadd.remote.s32 $0x1  }
0xbe: {  	_ =	sfence.sel $0xFFFF  }
0xbf: {  	[dreg:$0x0] =	wrdreg $0xFFFFFFFF;
	(pc) =	sbr.abs _section_cstart, $3  }
0xc0: {  	[dreg:$0x1] =	wrdreg $0xFFFFFFFF  }
0xc1: {  	_ =	task.clear_ibuf [dreg:s7], $0x2FFFF;
	_ =	strace $0x9FFFFFFF  }
0xc2: {  	(tm) =	ssettm $0x7FFFFFFF  }
0xc3: {  	_ =	shalt  }
tec
execute0_lowered:
.L_overlay_start_1:
0x0: {  	(tag) =	ssettag $0x1  }
0x1: {  	s1 =	srdreg.scid  }
0x2: {  	s0 =	stileid.u32;
	s4 =	rddreg [dreg:$0x0]  }
0x3: {  	s6 =	rddreg [dreg:$0x1];
	s2 =	simm.s32 $0x0;
	s21 =	simm.s32 $0x64  }
0x4: {  	s12 =	simm.s32 $0x6E00;
	s13 =	simm.s32 $0xD200;
	s14 =	simm.s32 $0x1  }
0x5: {  	s15 =	simm.s32 $0x13600;
	s16 =	simm.s32 $0x2;
	s17 =	simm.s32 $0x3  }
0x6: {  	s18 =	simm.s32 $0x4;
	s19 =	simm.s32 $0x5;
	s20 =	simm.s32 $0x6  }
0x7: {  	s22 =	simm.s32 $0x8;
	s23 =	simm.s32 $0x0;
	s5 =	sand.u32 $0x1, s1  }
0x8: {  	s28 =	sshll.u32 s0, $0x1;
	[smem:$0x7FF] =	sst s2;
	s8 =	smul.u32 $0x32000, s0  }
0x9: {  	p0 =	slt.u32 s0, $0x8;
	s3 =	sor.u32 s5, s28;
	s9 =	ssub.s32 $0x2, s5  }
0xa: {  	_ =	strace $0x80000047;
	s29 =	smul.u32 $0x19000, s5;
	s21 =	simm.s32 @!p0 $0xC8  }
0xb: {  	s7 =	smul.u32 $0x140, s3;
	s3 =	sadd.s32 $0x3400, s4;
	s10 =	sshrl.u32 s9, $0x1  }
0xc: {  	s11 =	sadd.s32 s8, s4;
	s6 =	sadd.s32 s8, s6;
	v0 =	vmov s21;
	s21 =	simm.s32 $0x7  }
0xd: {  	s9 =	ssub.s32 s9, s10;
	s31 =	sadd.s32 s29, s11;
	s8 =	sadd.s32 s29, s6  }
0xe: {  	s10 =	simm.s32 $0xA00;
	s7 =	sadd.s32 s7, s4;
	s5 =	smax.u32 s9, $0x1  }
0xf: {  	s6 =	sadd.s32 $0x24080, s31;
	s9 =	simm.s32 $0x19;
	s30 =	sadd.s32 $0xC00, s7  }
0x10: {  	s7 =	sadd.s32 $0xC80, s8;
	s8 =	simm.s32 $0x9;
	[dreg:$0x3] =	wrdreg s30  }
.LBB2_1:
0x11: {  	s0 =	rddreg [dreg:$0x3]  }
0x12: {  	[tilespmem:s2], [sflag:$0x9] =	stream.linear.gather [hbm4b:s0+s2], $0xA00, $0x38;
	[tilespmem:$0x19A00] =	vst v63  }
0x13: {  	_ =	swait.ge [sflag:s8], $0xA00  }
0x14: {  	[sflag:s8] =	ssyncset.done $0x0  }
0x15: {  	s24 =	simm.s32 $0x0;
	s25 =	simm.s32 $0x40;
	[sflag:s8] =	ssyncadd.s32 $0xFFFFF600  }
.LBB2_2:
0x16: {  	p0 =	sne.s32 s25, $0x27C0;
	v1 =	vld [tilespmem:s24+$0x0];
	_ =	sdelay $0x1  }
.Ltmp0:
0x17: {  	(pc) =	sbr.rel @p0 .LBB2_2-.Ltmp0, $3  }
0x18: {  	_ =	sdelay $0x1  }
0x19: {  	v1 =	vadd.s32 v0, v1  }
0x1a: {  	[tilespmem:s24+$0x0] =	vst v1;
	s24 =	sshra.s32 s25, $0x2;
	s25 =	sadd.s32 $0x40, s25  }
0x1b: {  	v1 =	vld [tilespmem:s24+$0x0];
	_ =	sdelay $0x4  }
0x1c: {  	v1 =	vadd.s32 v0, v1  }
0x1d: {  	s25 =	simm.s32 $0x0;
	p0 =	por $0x1, $0x1;
	[tilespmem:s24+$0x0] =	vst v1  }
0x1e: {  	[tilespmem:s10], [sflag:$0x1] =	stream.indirect.gather [hbm4b:s3+s9], $0x400, s25, s9, $0xb8;
	[tilespmem:$0x19A00] =	vst v63  }
0x1f: {  	s0 =	simm.s32 $0x28;
	s24 =	simm.s32 @!p0 $0x7  }
0x20: {  	[tilespmem:s12], [sflag:$0x2] =	stream.indirect.gather [hbm4b:s3+s9], $0x400, s0, s9, $0xb8;
	[tilespmem:$0x19A00] =	vst v63  }
0x21: {  	_ =	swait.ge @!p0 [sflag:s24], $0x6400  }
0x22: {  	[sflag:s24] =	ssyncset.done @!p0 $0x0  }
0x23: {  	s25 =	simm.s32 $0x50;
	[sflag:s24] =	ssyncadd.s32 @!p0 $0xFFFF9C00  }
0x24: {  	[tilespmem:s13], [sflag:$0x3] =	stream.indirect.gather [hbm4b:s3+s9], $0x400, s25, s9, $0xb8;
	[tilespmem:$0x19A00] =	vst v63  }
0x25: {  	_ =	swait.ge [sflag:s14], $0x6400  }
0x26: {  	[sflag:s14] =	ssyncset.done $0x0  }
0x27: {  	s26 =	sadd.s32 $0xFFFFF380, s7;
	s25 =	simm.s32 @!p0 $0x8;
	[sflag:s14] =	ssyncadd.s32 $0xFFFF9C00  }
0x28: {  	[hbm4b:s26+s2] =	stream.linear.scatter [tilespmem:s10], [sflag:$0x5], $0x6400, $0x38;
	[tilespmem:$0x19A00] =	vst v63  }
0x29: {  	_ =	swait.ge @!p0 [sflag:s25], $0x6400  }
0x2a: {  	[sflag:s25] =	ssyncset.done @!p0 $0x0  }
0x2b: {  	s30 =	simm.s32 $0x78;
	[sflag:s25] =	ssyncadd.s32 @!p0 $0xFFFF9C00  }
0x2c: {  	[tilespmem:s15], [sflag:$0x4] =	stream.indirect.gather [hbm4b:s3+s9], $0x400, s30, s9, $0xb8;
	[tilespmem:$0x19A00] =	vst v63  }
0x2d: {  	_ =	swait.ge [sflag:s16], $0x6400  }
0x2e: {  	p0 =	por $0x0, $0x0;
	[sflag:s16] =	ssyncset.done $0x0  }
0x2f: {  	s31 =	sadd.s32 $0xFFFFF380, s6;
	s25 =	simm.s32 @!p0 $0x5;
	[sflag:s16] =	ssyncadd.s32 $0xFFFF9C00  }
0x30: {  	[hbm4b:s31+s2] =	stream.linear.scatter [tilespmem:s12], [sflag:$0x6], $0x6400, $0x38;
	[tilespmem:$0x19A00] =	vst v63  }
0x31: {  	_ =	swait.ge @!p0 [sflag:s25], $0x6400  }
0x32: {  	s24 =	simm.s32 @!p0 $0xA0;
	[sflag:s25] =	ssyncset.done @!p0 $0x0  }
0x33: {  	s26 =	simm.s32 @!p0 $0x19;
	s28 =	simm.s32 @!p0 $0xA00;
	[sflag:s25] =	ssyncadd.s32 @!p0 $0xFFFF9C00  }
0x34: {  	[tilespmem:s28], [sflag:$0x1] =	stream.indirect.gather @!p0 [hbm4b:s3+s26], $0x400, s24, s26, $0xb8;
	[tilespmem:$0x19A00] =	vst v63  }
0x35: {  	_ =	swait.ge [sflag:s17], $0x6400  }
0x36: {  	[sflag:s17] =	ssyncset.done $0x0  }
0x37: {  	s24 =	simm.s32 @!p0 $0x6;
	[sflag:s17] =	ssyncadd.s32 $0xFFFF9C00  }
0x38: {  	[hbm4b:s7+s2] =	stream.linear.scatter [tilespmem:s13], [sflag:$0x7], $0x6400, $0x38;
	[tilespmem:$0x19A00] =	vst v63  }
0x39: {  	_ =	swait.ge @!p0 [sflag:s24], $0x6400  }
0x3a: {  	p1 =	por $0x0, $0x0;
	[sflag:s24] =	ssyncset.done @!p0 $0x0  }
0x3b: {  	s25 =	simm.s32 @!p0 $0xC8;
	s28 =	simm.s32 @!p0 $0x6E00;
	[sflag:s24] =	ssyncadd.s32 @!p0 $0xFFFF9C00  }
0x3c: {  	[tilespmem:s28], [sflag:$0x2] =	stream.indirect.gather @!p0 [hbm4b:s3+s26], $0x400, s25, s26, $0xb8;
	[tilespmem:$0x19A00] =	vst v63  }
0x3d: {  	s29 =	smov.u32 s6;
	s24 =	sadd.s32 $0x1900, s6;
	s26 =	simm.s32 $0x280  }
0x3e: {  	s28 =	simm.s32 $0x500;
	s25 =	sadd.s32 $0x1900, s7;
	_ =	swait.ge [sflag:s18], $0x6400  }
.LBB2_4:
0x3f: {  	s30 =	simm.s32 @!p1 $0x7  }
0x40: {  	[sflag:s18] =	ssyncset.done $0x0;
	s31 =	smov.u32 s28;
	s28 =	sadd.s32 $0x280, s28  }
0x41: {  	p0 =	sne.s32 s28, $0x2800;
	[sflag:s18] =	ssyncadd.s32 $0xFFFF9C00  }
0x42: {  	[hbm4b:s29+s2] =	stream.linear.scatter [tilespmem:s15], [sflag:$0x8], $0x6400, $0x38;
	[tilespmem:$0x19A00] =	vst v63  }
0x43: {  	s1 =	sshra.s32 s26, $0x2;
	s29 =	smov.u32 s24;
	_ =	swait.ge @!p1 [sflag:s30], $0x6400  }
0x44: {  	s0 =	sadd.s32 $0x50, s1;
	[sflag:s30] =	ssyncset.done @!p1 $0x0  }
0x45: {  	[sflag:s30] =	ssyncadd.s32 @!p1 $0xFFFF9C00  }
0x46: {  	[tilespmem:s13], [sflag:$0x3] =	stream.indirect.gather [hbm4b:s3+s9], $0x400, s0, s9, $0xb8;
	[tilespmem:$0x19A00] =	vst v63  }
0x47: {  	_ =	swait.ge [sflag:s14], $0x6400  }
0x48: {  	s30 =	simm.s32 @!p1 $0x8;
	s0 =	sadd.s32 $0xFFFFF380, s25;
	[sflag:s14] =	ssyncset.done $0x0  }
0x49: {  	[sflag:s14] =	ssyncadd.s32 $0xFFFF9C00  }
0x4a: {  	[hbm4b:s0+s2] =	stream.linear.scatter [tilespmem:s10], [sflag:$0x5], $0x6400, $0x38;
	[tilespmem:$0x19A00] =	vst v63  }
0x4b: {  	_ =	swait.ge @!p1 [sflag:s30], $0x6400  }
0x4c: {  	s0 =	sadd.s32 $0x78, s1;
	[sflag:s30] =	ssyncset.done @!p1 $0x0  }
0x4d: {  	[sflag:s30] =	ssyncadd.s32 @!p1 $0xFFFF9C00  }
0x4e: {  	[tilespmem:s15], [sflag:$0x4] =	stream.indirect.gather [hbm4b:s3+s9], $0x400, s0, s9, $0xb8;
	[tilespmem:$0x19A00] =	vst v63  }
0x4f: {  	_ =	swait.ge [sflag:s16], $0x6400  }
0x50: {  	p1 =	seq.s32 s26, $0x2580;
	s0 =	sadd.s32 $0xFFFFF380, s24;
	[sflag:s16] =	ssyncset.done $0x0  }
0x51: {  	s1 =	simm.s32 @!p1 $0x5;
	s26 =	sshra.s32 @!p1 s26, $0x2;
	[sflag:s16] =	ssyncadd.s32 $0xFFFF9C00  }
0x52: {  	[hbm4b:s0+s2] =	stream.linear.scatter [tilespmem:s12], [sflag:$0x6], $0x6400, $0x38;
	[tilespmem:$0x19A00] =	vst v63  }
0x53: {  	s30 =	sadd.s32 @!p1 $0xC8, s26;
	s0 =	sadd.s32 @!p1 $0xA0, s26;
	_ =	swait.ge @!p1 [sflag:s1], $0x6400  }
0x54: {  	s11 =	simm.s32 @!p1 $0x19;
	s4 =	simm.s32 @!p1 $0xA00;
	[sflag:s1] =	ssyncset.done @!p1 $0x0  }
0x55: {  	s26 =	smov.u32 s31;
	[sflag:s1] =	ssyncadd.s32 @!p1 $0xFFFF9C00  }
0x56: {  	[tilespmem:s4], [sflag:$0x1] =	stream.indirect.gather @!p1 [hbm4b:s3+s11], $0x400, s0, s11, $0xb8;
	[tilespmem:$0x19A00] =	vst v63  }
0x57: {  	_ =	swait.ge [sflag:s17], $0x6400  }
0x58: {  	[sflag:s17] =	ssyncset.done $0x0  }
0x59: {  	s0 =	simm.s32 @!p1 $0x6;
	[sflag:s17] =	ssyncadd.s32 $0xFFFF9C00  }
0x5a: {  	[hbm4b:s25+s2] =	stream.linear.scatter [tilespmem:s13], [sflag:$0x7], $0x6400, $0x38;
	[tilespmem:$0x19A00] =	vst v63  }
.Ltmp1:
0x5b: {  	_ =	swait.ge @!p1 [sflag:s0], $0x6400;
	(pc) =	sbr.rel @p0 .LBB2_4-.Ltmp1, $4  }
0x5c: {  	s1 =	simm.s32 @!p1 $0x6E00;
	[sflag:s0] =	ssyncset.done @!p1 $0x0  }
0x5d: {  	s25 =	sadd.s32 $0x1900, s25;
	[sflag:s0] =	ssyncadd.s32 @!p1 $0xFFFF9C00  }
0x5e: {  	[tilespmem:s1], [sflag:$0x2] =	stream.indirect.gather @!p1 [hbm4b:s3+s11], $0x400, s30, s11, $0xb8;
	[tilespmem:$0x19A00] =	vst v63  }
0x5f: {  	s24 =	sadd.s32 $0x1900, s24;
	p1 =	seq.s32 s26, $0x0;
	_ =	swait.ge [sflag:s18], $0x6400  }
0x60: {  	[sflag:s18] =	ssyncset.done $0x0  }
0x61: {  	s0 =	simm.s32 @!p1 $0x7;
	[sflag:s18] =	ssyncadd.s32 $0xFFFF9C00  }
0x62: {  	[hbm4b:s29+s2] =	stream.linear.scatter [tilespmem:s15], [sflag:$0x8], $0x6400, $0x38;
	[tilespmem:$0x19A00] =	vst v63  }
0x63: {  	_ =	swait.ge @!p1 [sflag:s0], $0x6400  }
0x64: {  	s1 =	sshra.s32 s26, $0x2;
	[sflag:s0] =	ssyncset.done @!p1 $0x0  }
0x65: {  	s4 =	sadd.s32 $0x50, s1;
	[sflag:s0] =	ssyncadd.s32 @!p1 $0xFFFF9C00  }
0x66: {  	[tilespmem:s13], [sflag:$0x3] =	stream.indirect.gather [hbm4b:s3+s9], $0x400, s4, s9, $0xb8;
	[tilespmem:$0x19A00] =	vst v63  }
0x67: {  	_ =	swait.ge [sflag:s14], $0x6400  }
0x68: {  	[sflag:s14] =	ssyncset.done $0x0  }
0x69: {  	s29 =	sadd.s32 $0xFFFFF380, s25;
	s4 =	simm.s32 @!p1 $0x8;
	[sflag:s14] =	ssyncadd.s32 $0xFFFF9C00  }
0x6a: {  	[hbm4b:s29+s2] =	stream.linear.scatter [tilespmem:s10], [sflag:$0x5], $0x6400, $0x38;
	[tilespmem:$0x19A00] =	vst v63  }
0x6b: {  	_ =	swait.ge @!p1 [sflag:s4], $0x6400  }
0x6c: {  	[sflag:s4] =	ssyncset.done @!p1 $0x0  }
0x6d: {  	s30 =	sadd.s32 $0x78, s1;
	[sflag:s4] =	ssyncadd.s32 @!p1 $0xFFFF9C00  }
0x6e: {  	[tilespmem:s15], [sflag:$0x4] =	stream.indirect.gather [hbm4b:s3+s9], $0x400, s30, s9, $0xb8;
	[tilespmem:$0x19A00] =	vst v63  }
0x6f: {  	_ =	swait.ge [sflag:s16], $0x6400  }
0x70: {  	p0 =	seq.s32 s26, $0x2580;
	[sflag:s16] =	ssyncset.done $0x0  }
0x71: {  	s31 =	sadd.s32 $0xFFFFF380, s24;
	s1 =	simm.s32 @!p0 $0x5;
	[sflag:s16] =	ssyncadd.s32 $0xFFFF9C00  }
0x72: {  	[hbm4b:s31+s2] =	stream.linear.scatter [tilespmem:s12], [sflag:$0x6], $0x6400, $0x38;
	[tilespmem:$0x19A00] =	vst v63  }
0x73: {  	_ =	swait.ge @!p0 [sflag:s1], $0x6400  }
0x74: {  	s11 =	simm.s32 @!p0 $0x19;
	s0 =	sshra.s32 @!p0 s26, $0x2;
	[sflag:s1] =	ssyncset.done @!p0 $0x0  }
0x75: {  	s26 =	simm.s32 @!p0 $0xA00;
	s4 =	sadd.s32 @!p0 $0xA0, s0;
	[sflag:s1] =	ssyncadd.s32 @!p0 $0xFFFF9C00  }
0x76: {  	[tilespmem:s26], [sflag:$0x1] =	stream.indirect.gather @!p0 [hbm4b:s3+s11], $0x400, s4, s11, $0xb8;
	[tilespmem:$0x19A00] =	vst v63  }
0x77: {  	_ =	swait.ge [sflag:s17], $0x6400  }
0x78: {  	[sflag:s17] =	ssyncset.done $0x0  }
0x79: {  	s1 =	simm.s32 @!p0 $0x6;
	[sflag:s17] =	ssyncadd.s32 $0xFFFF9C00  }
0x7a: {  	[hbm4b:s25+s2] =	stream.linear.scatter [tilespmem:s13], [sflag:$0x7], $0x6400, $0x38;
	[tilespmem:$0x19A00] =	vst v63  }
0x7b: {  	_ =	swait.ge @!p0 [sflag:s1], $0x6400  }
0x7c: {  	[sflag:s1] =	ssyncset.done @!p0 $0x0  }
0x7d: {  	s0 =	sadd.s32 @!p0 $0xC8, s0;
	s4 =	simm.s32 @!p0 $0x6E00;
	[sflag:s1] =	ssyncadd.s32 @!p0 $0xFFFF9C00  }
0x7e: {  	[tilespmem:s4], [sflag:$0x2] =	stream.indirect.gather @!p0 [hbm4b:s3+s11], $0x400, s0, s11, $0xb8;
	[tilespmem:$0x19A00] =	vst v63  }
0x7f: {  	_ =	swait.ge [sflag:s18], $0x6400  }
0x80: {  	[sflag:s18] =	ssyncset.done $0x0  }
0x81: {  	[sflag:s18] =	ssyncadd.s32 $0xFFFF9C00  }
0x82: {  	[hbm4b:s24+s2] =	stream.linear.scatter [tilespmem:s15], [sflag:$0x8], $0x6400, $0x38;
	[tilespmem:$0x19A00] =	vst v63  }
0x83: {  	_ =	swait.ge [sflag:s19], $0x6400  }
0x84: {  	[sflag:s19] =	ssyncset.done $0x0  }
0x85: {  	[sflag:s19] =	ssyncadd.s32 $0xFFFF9C00  }
0x86: {  	_ =	swait.ge [sflag:s20], $0x6400  }
0x87: {  	[sflag:s20] =	ssyncset.done $0x0  }
0x88: {  	s23 =	sadd.s32 $0x1, s23;
	[sflag:s20] =	ssyncadd.s32 $0xFFFF9C00  }
0x89: {  	p0 =	sne.s32 s23, s5;
	_ =	swait.ge [sflag:s21], $0x6400  }
.Ltmp2:
0x8a: {  	[sflag:s21] =	ssyncset.done $0x0;
	(pc) =	sbr.rel @p0 .LBB2_1-.Ltmp2, $4  }
0x8b: {  	[sflag:s21] =	ssyncadd.s32 $0xFFFF9C00  }
0x8c: {  	_ =	swait.ge [sflag:s22], $0x6400  }
0x8d: {  	[sflag:s22] =	ssyncset.done $0x0  }
0x8e: {  	[sflag:s22] =	ssyncadd.s32 $0xFFFF9C00  }
0x8f: {  	_ =	sfence.sel $0x180000  }
0x90: {  	[bflag:$0x0] =	sbarrier.arrive $0xFFFF  }
0x91: {  	_ =	strace $0x90000047  }
0x92: {  	s0 =	stileid.u32;
	[bflag:$0x2] =	sbarrier.arrive $0xFFFF  }
0x93: {  	p0 =	sne.s32 s0, $0x0;
	s0 =	rddreg [dreg:$0x2]  }
0x94: {  	s0 =	sadd.s32 @!p0 $0x100000, s0  }
0x95: {  	[sflag:s0] =	ssyncadd.tile.s32 @!p0 $0x1;
	_ =	shalt  }
.Lfunc_end2:
_tile_overlayer_lowered:
.L_overlay_start_2:
0x96: {  	(tag) =	ssettag $0x2  }
0x97: {  	s0 =	rddreg [dreg:$0x0];
	s2 =	stileid.u32  }
0x98: {  	s1 =	rddreg [dreg:$0x1];
	p0 =	sne.s32 s2, $0x0  }
0x99: {  	s3 =	rddreg [dreg:$0x2];
	[bflag:$0x3] =	sbarrier.arrive $0xFFFF;
	s2 =	simm.s32 @!p0 $0x1C09  }
0x9a: {  	[timem:s3], [sflag:s2] =	dma.local @!p0 [hbm:s0], s1  }
0x9b: {  	s0 =	simm.s32 @!p0 $0x9  }
0x9c: {  	_ =	swait.ge @!p0 [sflag:s0], s1  }
0x9d: {  	s1 =	ssub.s32 @!p0 $0x0, s1;
	[sflag:s0] =	ssyncset.done @!p0 $0x0  }
0x9e: {  	[sflag:s0] =	ssyncadd.s32 @!p0 s1  }
0x9f: {  	[bflag:$0x3] =	sbarrier.arrive $0xFFFF  }
0xa0: {  	_ =	shalt  }

// kernel: sparse-core-data-format-call.cloned.1.call-start
scs
called_computation_lowered:
.L_overlay_start_0:
0x0: {  	s2 =	sld [smem:$0x3FD9]  }
0x1: {  	s3 =	sld [smem:$0x3FFE];
	_ =	sdelay $0x1  }
0x2: {  	s1 =	srdreg.scid  }
0x3: {  	s0 =	sand.u32 $0x1, s1  }
0x4: {  	s18 =	sshll.u32 s0, $0xA;
	s2 =	sadd.s32 s3, s2  }
0x5: {  	s2 =	sadd.s32 s2, s18  }
0x6: {  	[smem:$0x3FC6] =	sst s2  }
0x7: {  	_ = 	snop  }
0x8: {  	s2 =	sld [smem:$0x3FD0];
	(tm) =	ssettm $0x1  }
0x9: {  	s19 =	sld [smem:$0x3FFB];
	_ =	sdelay $0x3  }
0xa: {  	_ =	strace s19  }
0xb: {  	s3 =	sld [smem:$0x3FFC];
	_ =	sdelay $0x3  }
0xc: {  	_ =	strace s3  }
0xd: {  	s3 =	sld [smem:$0x3FFD];
	_ =	sdelay $0x3  }
0xe: {  	_ =	strace s3  }
0xf: {  	_ =	strace $0x8FFFFFFF  }
0x10: {  	s20 =	sld [smem:$0x3FDB];
	_ =	sdelay $0x1  }
0x11: {  	s4 =	simm.s32 $_scs_section_size  }
0x12: {  	s5 =	simm.s32 $_size__tile_overlayer_lowered;
	s6 =	simm.s32 $_tile_overlayer_lowered  }
0x13: {  	s23 =	simm.s32 $0x1BFF;
	s22 =	sshll.u32 s6, $0x1;
	s3 =	sadd.s32 s4, s20  }
0x14: {  	s7 =	simm.s32 $0x0;
	s21 =	sshll.u32 s5, $0x1;
	s5 =	sadd.s32 s22, s3  }
0x15: {  	[timem:s7], [sflag:s23] =	dma.local [hbm:s5], s21  }
0x16: {  	_ =	swait.ge [sflag:s23], s21  }
0x17: {  	s4 =	ssub.s32 $0x0, s21;
	[sflag:s23] =	ssyncset.done $0x0  }
0x18: {  	[sflag:s23] =	ssyncadd.s32 s4;
	_ =	sdelay $0x1  }
0x19: {  	s24 =	simm.s32 $0x1B8B  }
0x1a: {  	_ =	swait.ge [sflag:s24], $0x1  }
0x1b: {  	[sflag:s24] =	ssyncset.done $0x0  }
0x1c: {  	s26 =	simm.s32 $0x1B8E;
	s25 =	sld [smem:$0x3FFE];
	[sflag:s24] =	ssyncadd.s32 $0xFFFFFFFF  }
0x1d: {  	s27 =	simm.s32 $execute0_lowered;
	[smem:$0x3FD2] =	sst s26  }
0x1e: {  	s5 =	sshll.u32 s27, $0x1;
	_ =	strace $0x80000049;
	[dreg:$0x1] =	wrdreg $0xFFFFFFFF  }
0x1f: {  	s28 =	simm.s32 $_size_execute0_lowered;
	s3 =	sadd.s32 s3, s5;
	[dreg:$0x0] =	wrdreg $0x0  }
0x20: {  	s5 =	sshll.u32 s28, $0x1;
	[dreg:$0x2] =	wrdreg s3  }
0x21: {  	[dreg:$0x3] =	wrdreg s5  }
0x22: {  	[dreg:$0x4] =	wrdreg $0xC0  }
0x23: {  	_ =	task [dreg:s7], $0x5FFFF  }
0x24: {  	[dreg:$0x1] =	wrdreg $0xFFFFFFFF  }
0x25: {  	[dreg:$0x0] =	wrdreg $0x60  }
0x26: {  	[dreg:$0x2] =	wrdreg s25  }
0x27: {  	[dreg:$0x3] =	wrdreg s2  }
0x28: {  	[dreg:$0x4] =	wrdreg $0x9  }
0x29: {  	_ =	task.clear_ibuf [dreg:s7], $0x5FFFF;
	_ =	strace $0x90000049  }
0x2a: {  	s29 =	simm.s32 $0x9;
	_ =	strace $0x8000004B  }
0x2b: {  	_ =	swait.ge [sflag:s29], $0x1  }
0x2c: {  	[sflag:s29] =	ssyncadd.s32 $0xFFFFFFFF  }
0x2d: {  	_ =	strace $0x9000004B  }
0x2e: {  	_ =	sfence  }
0x2f: {  	s30 =	sld [smem:$0x0];
	_ =	sdelay $0x2  }
0x30: {  	s31 =	sshll.u32 s1, $0xD;
	s1 =	sshrl.u32 s1, $0x2  }
0x31: {  	s3 =	sand.u32 $0x4000, s31;
	s1 =	sadd.s32 s1, s30  }
0x32: {  	s0 =	sor.u32 s3, s0;
	s1 =	sshll.u32 s1, $0x11  }
0x33: {  	s0 =	sor.u32 s1, s0  }
0x34: {  	s0 =	sadd.s32 $0x8F2B, s0  }
0x35: {  	[sflag:s0] =	ssyncadd.remote.s32 $0x1  }
0x36: {  	_ =	sfence.sel $0xFFFF  }
0x37: {  	[dreg:$0x0] =	wrdreg $0xFFFFFFFF;
	(pc) =	sbr.abs _section_cstart, $3  }
0x38: {  	[dreg:$0x1] =	wrdreg $0xFFFFFFFF  }
0x39: {  	_ =	task.clear_ibuf [dreg:s7], $0x2FFFF;
	_ =	strace $0x9FFFFFFF  }
0x3a: {  	(tm) =	ssettm $0x7FFFFFFF  }
0x3b: {  	_ =	shalt  }
tec
execute0_lowered:
.L_overlay_start_1:
0x0: {  	(tag) =	ssettag $0x1  }
0x1: {  	s0 =	stileid.u32;
	s1 =	srdreg.scid  }
0x2: {  	s2 =	sshll.u32 s0, $0x7;
	s3 =	sshll.u32 s0, $0x4;
	s4 =	sshll.u32 s1, $0x8  }
0x3: {  	s7 =	rddreg [dreg:$0x0];
	s1 =	sand.u32 $0x380, s2;
	s29 =	sor.u32 s3, s4  }
0x4: {  	s8 =	simm.s32 $0x2;
	s2 =	sand.u32 $0x180, s29;
	s30 =	ssub.s32 $0x400, s1  }
0x5: {  	s16 =	simm.s32 $0x0;
	s31 =	sand.u32 $0x380, s30;
	s5 =	ssub.s32 $0x400, s2  }
0x6: {  	s4 =	simm.s32 $0x1;
	p0 =	sne.s32 s31, $0x0;
	s6 =	sand.u32 $0x180, s5  }
0x7: {  	s4 =	simm.s32 @!p0 $0x0;
	p0 =	sne.s32 s6, $0x0;
	s6 =	simm.s32 $0x1  }
0x8: {  	s3 =	sshrl.u32 s30, $0xA;
	s5 =	sshrl.u32 s5, $0x9;
	s6 =	simm.s32 @!p0 $0x0  }
0x9: {  	s9 =	simm.s32 $0x2000;
	s3 =	sadd.s32 s4, s3;
	s5 =	sadd.s32 s6, s5  }
0xa: {  	s14 =	simm.s32 $0x0;
	s15 =	simm.s32 $0x0;
	s6 =	smul.u32 s5, s3  }
.Ltmp0:
0xb: {  	s12 =	simm.s32 $0x0;
	s4 =	rddreg [dreg:$0x1];
	(pc) =	sbr.rel .LBB1_1-.Ltmp0, $4  }
0xc: {  	s13 =	simm.s32 $0x0;
	s7 =	sadd.s32 $0x663400, s7;
	s3 =	rddreg [dreg:$0x2]  }
0xd: {  	_ =	strace $0x8000004A;
	s5 =	simm.s32 $0x1;
	s6 =	smul.u32 $0x32, s6  }
0xe: {  	s11 =	smov.u32 s1;
	s10 =	smov.u32 s2;
	[sflag:s5] =	ssyncpa.u1 $0x0  }
0xf: {  	p0 =	por $0x0, $0x0;
	[sflag:s8] =	ssyncpa.u1 $0x0;
	s8 =	sor.u32 $0x1, s6  }
.LBB1_4:
0x10: {  	v5 =	vld [tilespmem:s20+$0xFFFFFFD0];
	[tilespmem:s19+$0x2040 ss:$0x81] =	vst.msk $0xffff, v1  }
0x11: {  	v58 =	vld [tilespmem:s20+$0xFFFFFFE0];
	[tilespmem:s19+$0x2850 ss:$0x81] =	vst.msk $0xffff, v2  }
0x12: {  	s21 =	sshra.s32 s21, $0x2;
	v59 =	vld [tilespmem:s20+$0xFFFFFFF0];
	[tilespmem:s19+$0x3060 ss:$0x81] =	vst.msk $0xffff, v3  }
0x13: {  	v60 =	vld [tilespmem:s20+$0x0];
	[tilespmem:s19+$0x0 ss:$0x81] =	vst.msk $0xffff, v0;
	s18 =	sadd.s32 s21, s18  }
0x14: {  	v61 =	vld [tilespmem:s20+$0x10];
	[tilespmem:s18+$0x3870 ss:$0x81] =	vst.msk $0xffff, v4  }
0x15: {  	v62 =	vld [tilespmem:s20+$0x20];
	s26 =	sshll.u32 s16, $0xA;
	s27 =	sshll.u32 s14, $0x3;
	[tilespmem:s18+$0x810 ss:$0x81] =	vst.msk $0xffff, v5  }
0x16: {  	v63 =	vld [tilespmem:s20+$0xFFFFFFC0];
	s29 =	sshll.u32 s16, $0x7;
	s30 =	sand.u32 $0x78, s14;
	s15 =	sshll.u32 s15, $0x11;
	[tilespmem:s18+$0x1020 ss:$0x81] =	vst.msk $0xffff, v58  }
0x17: {  	s19 =	sand.u32 $0xFE000, s26;
	s28 =	sand.u32 $0xFFC00, s27;
	s16 =	sand.u32 $0x380, s29;
	[tilespmem:s18+$0x1830 ss:$0x81] =	vst.msk $0xffff, v59  }
0x18: {  	s31 =	sand.u32 $0x7, s14;
	s19 =	sadd.s32 s28, s19;
	s16 =	sor.u32 s30, s16;
	[tilespmem:s18+$0x2040 ss:$0x81] =	vst.msk $0xffff, v60  }
0x19: {  	s15 =	sadd.s32 s4, s15;
	s19 =	sshrl.u32 s19, $0x3;
	s16 =	sshrl.u32 s16, $0x3;
	[tilespmem:s18+$0x2850 ss:$0x81] =	vst.msk $0xffff, v61  }
0x1a: {  	s14 =	sshll.u32 s31, $0x12;
	s19 =	sand.u32 $0x1FF80, s19;
	s15 =	sadd.s32 s16, s15;
	[tilespmem:s18+$0x3060 ss:$0x81] =	vst.msk $0xffff, v62  }
0x1b: {  	s14 =	sor.u32 $0x400, s14;
	[tilespmem:s18+$0x0 ss:$0x81] =	vst.msk $0xffff, v63;
	s15 =	sadd.s32 s19, s15  }
0x1c: {  	[hbm4b:s15+s14] =	stream.strided.scatter [tilespmem:s17], [sflag:$0x2], $0x4000, s9, s14, $0x20;
	[tilespmem:$0x10100] =	vst v63  }
.LBB1_5:
0x1d: {  	s17 =	sadd.s32 $0x200, s10  }
0x1e: {  	s14 =	sadd.s32 $0x400, s11;
	s18 =	smov.u32 s11;
	p2 =	sgt.s32 s17, $0x3FF  }
0x1f: {  	s18 =	smov.u32 @p2 s14  }
0x20: {  	s14 =	simm.s32 $0x1;
	p3 =	sgt.s32 s18, $0x3FF  }
0x21: {  	s14 =	simm.s32 @!p3 $0x0  }
0x22: {  	s20 =	sadd.s32 s14, s12  }
0x23: {  	s17 =	smov.u32 @p2 s2;
	p2 =	sgt.s32 s20, $0x31  }
0x24: {  	p1 =	slt.u32 s13, $0x2;
	s20 =	simm.s32 @p2 $0x0;
	p2 =	sne.s32 s13, s8  }
.Ltmp1:
0x25: {  	s19 =	simm.s32 @!p1 $0x2;
	(pc) =	sbr.rel @!p2 .LBB1_6-.Ltmp1, $4  }
0x26: {  	s16 =	smov.u32 s10;
	s15 =	smov.u32 s12;
	_ =	swait.ge @!p1 [sflag:s19], $0x4000  }
0x27: {  	p0 =	por !p0, !p0;
	[sflag:s19] =	ssyncset.done @!p1 $0x0;
	s10 =	smov.u32 s17  }
0x28: {  	s18 =	smov.u32 @p3 s1;
	[sflag:s19] =	ssyncadd.s32 @!p1 $0xFFFFC000;
	s14 =	smov.u32 s11  }
0x29: {  	s11 =	smov.u32 s18;
	s13 =	sadd.s32 $0x1, s13;
	s12 =	smov.u32 s20  }
.LBB1_1:
0x2a: {  	p1 =	sge.u32 s13, s6  }
0x2b: {  	s31 =	sadd.s32 $0xFFFFFFFF, s13;
	s17 =	sshll.u32 @!p1 s11, $0x7  }
0x2c: {  	s18 =	sxor.u32 @!p1 $0xFFFFFFFF, s13;
	s19 =	sand.u32 @!p1 $0x78, s10;
	s20 =	sand.u32 @!p1 $0x380, s17  }
0x2d: {  	s18 =	sshll.u32 @!p1 s18, $0xE;
	s19 =	sor.u32 @!p1 s19, s20;
	s20 =	sshll.u32 @!p1 s12, $0x11  }
0x2e: {  	s17 =	sand.u32 @!p1 $0x1FC00, s17;
	s19 =	sshrl.u32 @!p1 s19, $0x3;
	s20 =	sadd.s32 @!p1 s7, s20  }
0x2f: {  	s17 =	sadd.s32 @!p1 s10, s17;
	s19 =	sadd.s32 @!p1 s19, s20;
	s20 =	sand.u32 @!p1 $0x7, s10  }
0x30: {  	s18 =	sand.u32 @!p1 $0x4000, s18;
	s17 =	sand.u32 @!p1 $0x1FF80, s17;
	s20 =	sshll.u32 @!p1 s20, $0x12  }
0x31: {  	s17 =	sadd.s32 @!p1 s17, s19;
	s19 =	sor.u32 @!p1 $0x400, s20;
	s20 =	simm.s32 @!p1 $0x2000  }
0x32: {  	[tilespmem:s18], [sflag:$0x1] =	stream.strided.gather @!p1 [hbm4b:s17+s19], $0x4000, s20, s19, $0x38;
	[tilespmem:$0x10100] =	vst v63  }
0x33: {  	p1 =	sge.u32 s31, s6  }
.Ltmp2:
0x34: {  	_ = 	snop;
	(pc) =	sbr.rel @p1 .LBB1_5-.Ltmp2, $1  }
0x35: {  	_ =	sdelay $0x3  }
0x36: {  	s17 =	simm.s32 $0x1  }
0x37: {  	_ =	swait.ge [sflag:s5], $0x4000;
	s17 =	simm.s32 @!p0 $0x0  }
0x38: {  	[sflag:s5] =	ssyncset.done $0x0;
	s18 =	sshll.u32 s17, $0xE  }
0x39: {  	[sflag:s5] =	ssyncadd.s32 $0xFFFFC000;
	s20 =	sor.u32 $0x40, s18  }
0x3a: {  	s17 =	smul.u32 $0x10200, s17;
	v0 =	vld [tilespmem:s20+$0x30]  }
0x3b: {  	v3 =	vld [tilespmem:s20+$0xFFFFFFD0]  }
0x3c: {  	s17 =	sshrl.u32 s17, $0x2;
	v4 =	vld [tilespmem:s20+$0xFFFFFFE0]  }
0x3d: {  	v5 =	vld [tilespmem:s20+$0xFFFFFFF0];
	s18 =	sor.u32 $0x8000, s17  }
0x3e: {  	s31 =	sand.u32 $0x1, s13;
	v1 =	vld [tilespmem:s20+$0x0];
	s19 =	sadd.s32 $0x0, s18  }
0x3f: {  	v2 =	vld [tilespmem:s20+$0x10];
	s17 =	smul.u32 $0x10200, s31;
	[tilespmem:s19+$0x3870 ss:$0x81] =	vst.msk $0xffff, v0  }
0x40: {  	[tilespmem:s19+$0x810 ss:$0x81] =	vst.msk $0xffff, v3;
	v3 =	vld [tilespmem:s20+$0x20]  }
0x41: {  	s17 =	sshrl.u32 s17, $0x2;
	v0 =	vld [tilespmem:s20+$0xFFFFFFC0];
	[tilespmem:s19+$0x1020 ss:$0x81] =	vst.msk $0xffff, v4;
	s20 =	sadd.s32 $0x80, s20  }
0x42: {  	s21 =	simm.s32 $0x4;
	s22 =	simm.s32 $0x8;
	s17 =	sor.u32 $0x8000, s17;
	[tilespmem:s19+$0x1830 ss:$0x81] =	vst.msk $0xffff, v5;
	v4 =	vld [tilespmem:s20+$0x30]  }
.LBB1_3:
0x43: {  	p1 =	sne.s32 s22, $0x1FC;
	v5 =	vld [tilespmem:s20+$0xFFFFFFD0];
	[tilespmem:s19+$0x2040 ss:$0x81] =	vst.msk $0xffff, v1  }
0x44: {  	v6 =	vld [tilespmem:s20+$0xFFFFFFE0];
	[tilespmem:s19+$0x2850 ss:$0x81] =	vst.msk $0xffff, v2  }
0x45: {  	s23 =	sshra.s32 s21, $0x2;
	s21 =	smov.u32 s22;
	v7 =	vld [tilespmem:s20+$0xFFFFFFF0];
	[tilespmem:s19+$0x3060 ss:$0x81] =	vst.msk $0xffff, v3  }
.Ltmp3:
0x46: {  	v1 =	vld [tilespmem:s20+$0x0];
	[tilespmem:s19+$0x0 ss:$0x81] =	vst.msk $0xffff, v0;
	s19 =	sadd.s32 s23, s18;
	(pc) =	sbr.rel @p1 .LBB1_3-.Ltmp3, $4  }
0x47: {  	v2 =	vld [tilespmem:s20+$0x10];
	[tilespmem:s19+$0x3870 ss:$0x81] =	vst.msk $0xffff, v4  }
0x48: {  	[tilespmem:s19+$0x810 ss:$0x81] =	vst.msk $0xffff, v5;
	v3 =	vld [tilespmem:s20+$0x20]  }
0x49: {  	v0 =	vld [tilespmem:s20+$0xFFFFFFC0];
	[tilespmem:s19+$0x1020 ss:$0x81] =	vst.msk $0xffff, v6;
	s20 =	sadd.s32 $0x80, s20  }
0x4a: {  	s22 =	sadd.s32 $0x4, s22;
	v4 =	vld [tilespmem:s20+$0x30];
	[tilespmem:s19+$0x1830 ss:$0x81] =	vst.msk $0xffff, v7  }
.Ltmp4:
0x4b: {  	_ = 	snop;
	(pc) =	sbr.rel .LBB1_4-.Ltmp4, $1  }
0x4c: {  	_ =	sdelay $0x3  }
.LBB1_6:
0x4d: {  	_ =	sfence.sel $0x180000  }
0x4e: {  	s1 =	simm.s32 $0x1;
	[bflag:$0x0] =	sbarrier.arrive $0xFFFF  }
0x4f: {  	s31 =	simm.s32 $0x2;
	[sflag:s1] =	ssyncpa.u1 $0x1  }
0x50: {  	[sflag:s31] =	ssyncpa.u1 $0x1  }
0x51: {  	p0 =	sne.s32 s0, $0x0;
	_ =	strace $0x9000004A  }
0x52: {  	s0 =	sadd.s32 @!p0 $0x100000, s3;
	[bflag:$0x2] =	sbarrier.arrive $0xFFFF  }
0x53: {  	[sflag:s0] =	ssyncadd.tile.s32 @!p0 $0x1;
	_ =	shalt  }
.Lfunc_end1:
_tile_overlayer_lowered:
.L_overlay_start_2:
0x54: {  	(tag) =	ssettag $0x2  }
0x55: {  	s0 =	rddreg [dreg:$0x0];
	s2 =	stileid.u32  }
0x56: {  	s1 =	rddreg [dreg:$0x1];
	p0 =	sne.s32 s2, $0x0  }
0x57: {  	s3 =	rddreg [dreg:$0x2];
	[bflag:$0x3] =	sbarrier.arrive $0xFFFF;
	s2 =	simm.s32 @!p0 $0x1C01  }
0x58: {  	[timem:s3], [sflag:s2] =	dma.local @!p0 [hbm:s0], s1  }
0x59: {  	s0 =	simm.s32 @!p0 $0x1  }
0x5a: {  	_ =	swait.ge @!p0 [sflag:s0], s1  }
0x5b: {  	s1 =	ssub.s32 @!p0 $0x0, s1;
	[sflag:s0] =	ssyncset.done @!p0 $0x0  }
0x5c: {  	[sflag:s0] =	ssyncadd.s32 @!p0 s1  }
0x5d: {  	[bflag:$0x3] =	sbarrier.arrive $0xFFFF  }
0x5e: {  	_ =	shalt  }

</sc_bundles>
